<compile_context>
chip_gen: v7x
topology: tpu7x:2x2x1
jax: 0.10.2.dev20260603
libtpu: 0.0.44.dev20260713+nightly
codegen_flags: <defaults>
</compile_context>

<pallas_src>
import functools

import jax
import jax.numpy as jnp
from jax import lax
from jax.experimental import pallas as pl
from jax.experimental.pallas import tpu as pltpu
from jax.experimental.pallas import tpu_sc as plsc

F = 8192
D = 256
K = 16
R = 256
BW = 32
NB = F // BW
KB = 20
W = KB * BW


NBW = F // 128


def _dist_blocks_body(sqc_ref, sqr_ref, call_ref, crows_ref, d_ref, blk_ref):
    c = lax.dot_general(crows_ref[...], call_ref[...],
                        (((0,), (0,)), ((), ())))
    d = (sqc_ref[...] + sqr_ref[...]) - 2.0 * c
    d = jnp.maximum(d, 0.0)
    for bb in range(NBW):
        d_ref[bb, :, :] = d[:, 128 * bb:128 * (bb + 1)]

    dt = jnp.transpose(d, (1, 0))
    bmin = jnp.min(dt.reshape(NB, BW, R), axis=1)
    iota_b = lax.broadcasted_iota(jnp.int32, (NB, R), 0)
    row_k = lax.broadcasted_iota(jnp.int32, (KB, R), 0)

    def body(j, carry):
        bb, acc = carry
        m = jnp.min(bb, axis=0, keepdims=True)
        cand = jnp.where(bb == m, iota_b, jnp.int32(NB))
        amin = jnp.min(cand, axis=0, keepdims=True)
        acc = jnp.where(row_k == j, amin, acc)
        bb = jnp.where(iota_b == amin, jnp.float32(jnp.inf), bb)
        return bb, acc

    _, blk_t = lax.fori_loop(0, KB, body,
                             (bmin, jnp.zeros((KB, R), jnp.int32)))
    blk_ref[...] = jnp.transpose(blk_t, (1, 0))


def _dist_and_blocks(c, sq, h, nh):
    hh = F // nh
    t0 = h * (hh // R)
    return pl.pallas_call(
        _dist_blocks_body,
        grid=(hh // R,),
        in_specs=[
            pl.BlockSpec((1, F), lambda i: (0, 0)),
            pl.BlockSpec((R, 1), lambda i: (i, 0)),
            pl.BlockSpec((D, F), lambda i: (0, 0)),
            pl.BlockSpec((D, R), lambda i: (0, i + t0)),
        ],
        out_specs=[
            pl.BlockSpec((NBW, R, 128), lambda i: (0, i, 0)),
            pl.BlockSpec((R, KB), lambda i: (i, 0)),
        ],
        out_shape=[
            jax.ShapeDtypeStruct((NBW, hh, 128), jnp.float32),
            jax.ShapeDtypeStruct((hh, KB), jnp.int32),
        ],
    )(sq[None, :], sq[h * hh:(h + 1) * hh, None], c, c)


def _select_body(cand_ref, blk_ref, idx_ref):
    dd0 = cand_ref[...]
    blk = blk_ref[...]
    off = lax.broadcasted_iota(jnp.int32, (R, KB, BW), 2)
    gg = (blk[:, :, None] * BW + off).reshape(R, W)
    colk = lax.broadcasted_iota(jnp.int32, (R, K), 1)

    def body(j, carry):
        dd, acc = carry
        m = jnp.min(dd, axis=1, keepdims=True)
        ag = jnp.where(dd == m, gg, jnp.int32(F))
        amin = jnp.min(ag, axis=1, keepdims=True)
        acc = jnp.where(colk == j, amin, acc)
        dd = jnp.where(gg == amin, jnp.float32(jnp.inf), dd)
        return dd, acc

    _, acc = lax.fori_loop(0, K, body, (dd0, jnp.zeros((R, K), jnp.int32)))
    idx_ref[...] = acc


def _select_topk(cand, blk):
    n = cand.shape[0]
    return pl.pallas_call(
        _select_body,
        grid=(n // R,),
        in_specs=[
            pl.BlockSpec((R, W), lambda i: (i, 0)),
            pl.BlockSpec((R, KB), lambda i: (i, 0)),
        ],
        out_specs=pl.BlockSpec((R, K), lambda i: (i, 0)),
        out_shape=jax.ShapeDtypeStruct((n, K), jnp.int32),
    )(cand, blk)


def _make_gather(n_rows, n_cols, n_idx, dtype):
    info = plsc.get_sparse_core_info()
    nw = info.num_cores * info.num_subcores
    per_w = n_idx // nw
    ch = 128
    n_ch = per_w // ch
    mesh = plsc.VectorSubcoreMesh(core_axis_name="c", subcore_axis_name="s")

    @functools.partial(
        pl.kernel, mesh=mesh,
        compiler_params=pltpu.CompilerParams(use_tc_tiling_on_sc=False),
        out_type=jax.ShapeDtypeStruct((n_idx, n_cols), dtype),
        scratch_types=[
            pltpu.VMEM((per_w,), jnp.int32),
            pltpu.VMEM((ch, n_cols), dtype),
            pltpu.SemaphoreType.DMA,
        ],
    )
    def k(table_hbm, idx_hbm, out_hbm, idx_v, rows_v, sem):
        wid = lax.axis_index("s") * info.num_cores + lax.axis_index("c")
        base = wid * per_w
        pltpu.sync_copy(idx_hbm.at[pl.ds(base, per_w)], idx_v)

        def body(j, carry):
            off = pl.multiple_of(j * ch, ch)
            pltpu.async_copy(
                table_hbm.at[idx_v.at[pl.ds(off, ch)]], rows_v, sem).wait()
            pltpu.sync_copy(rows_v, out_hbm.at[pl.ds(base + off, ch)])
            return carry

        lax.fori_loop(0, n_ch, body, 0)

    return k


def _transpose(x, br, bc):
    n, m = x.shape

    def body(x_ref, o_ref):
        o_ref[...] = jnp.transpose(x_ref[...], (1, 0))

    return pl.pallas_call(
        body,
        grid=(n // br, m // bc),
        in_specs=[pl.BlockSpec((br, bc), lambda i, j: (i, j))],
        out_specs=pl.BlockSpec((bc, br), lambda i, j: (j, i)),
        out_shape=jax.ShapeDtypeStruct((m, n), x.dtype),
    )(x)


def kernel(inputs, coordinates):
    b = inputs.shape[0]
    c = coordinates[:, :, 0]
    sq = jnp.sum(c * c, axis=0)

    nh = 2
    hh = F // nh
    rows = jnp.arange(hh, dtype=jnp.int32)[:, None]
    halves = [_dist_and_blocks(c, sq, h, nh) for h in range(nh)]
    cands = []
    for d, blk in halves:
        flat_ridx = ((blk >> 2) * (4 * hh) + 4 * rows
                     + (blk & 3)).reshape(-1)
        cands.append(_make_gather(hh * NB, BW, hh * KB, jnp.float32)(
            d.reshape(hh * NB, BW), flat_ridx))
    idx = jnp.concatenate(
        [_select_topk(cand.reshape(hh, W), blk)
         for cand, (_, blk) in zip(cands, halves)], axis=0)

    data = _transpose(inputs[:, :, 0], 64, 2048)
    gathered = _make_gather(F, b, F * K, jnp.float32)(
        data, idx.reshape(-1))
    out = _transpose(gathered, 2048, 64)
    return out[:, :, None]

# --- scband reference (transcript-rebuilt; emitter-appended) ---
"""Pipeline reference for scband-phylo-neighbours-3350074491070 (READ-ONLY COPY).

The authoritative reference and input builder live on the scoring server;
editing this copy changes nothing except your own understanding.
"""

import jax, jax.numpy as jnp
import numpy as np

NB_NEIGHBORS = 16
NB_FEATURES = 8192


def setup_inputs(seed: int = 0) -> dict:
    key = jax.random.key(seed)
    k1, k2 = jax.random.split(key)
    inputs = jax.random.normal(k1, (64, 8192, 1), dtype=jnp.float32)
    coordinates = jax.random.normal(k2, (256, 8192, 1), dtype=jnp.float32)
    return {"inputs": inputs, "coordinates": coordinates}


def _euclidean_distances(C):
    # C: (D, N) coordinate dims x features.
    # Faithful to the Keras helper: d = XX + YY - 2 * X^T Y, clamped at 0.
    sq = jnp.sum(C * C, axis=0)  # (N,) squared norm per feature
    d = sq[None, :] + sq[:, None] - 2.0 * (C.T @ C)  # (N, N)
    return jnp.maximum(d, 0.0)


def reference(inputs, coordinates):
    # inputs: (B, N, 1); coordinates: (D, N, 1)
    C = coordinates[:, :, 0]  # (D, N)
    dist = _euclidean_distances(C)  # (N, N)
    # top_k of -dist along last axis -> k nearest features for each feature row
    _, idx = jax.lax.top_k(-dist, NB_NEIGHBORS)  # (N, k) int32
    target = idx[:NB_FEATURES, :NB_NEIGHBORS]  # (F, k)
    # gather along feature axis: data (N, B) indexed by (F, k) -> (F, k, B)
    data = jnp.transpose(inputs[:, :, 0], (1, 0))  # (N, B)
    gathered = jnp.take(data, target, axis=0)  # (F, k, B)
    B = inputs.shape[0]
    out = gathered.reshape(NB_FEATURES * NB_NEIGHBORS, B, 1)  # (F*k, B, 1)
    out = jnp.transpose(out, (1, 0, 2))  # (B, F*k, 1)
    return out

if __name__ == "__main__":
    import jax
    _d = setup_inputs()
    print(jax.jit(kernel)(*tuple(_d.values())))

</pallas_src>

<mosaic_0001>
#map = affine_map<(d0, d1) -> (0, 0)>
#map1 = affine_map<(d0, d1) -> (0)>
module attributes {stable_mosaic.version = 14 : i64} {
  func.func @k(%arg0: i32, %arg1: i32, %arg2: memref<1048576x32xf32, #tpu.memory_space<hbm>>, %arg3: memref<81920xi32, #tpu.memory_space<hbm>>, %arg4: memref<81920x32xf32, #tpu.memory_space<hbm>>, %arg5: memref<2560xi32, #tpu.memory_space<vmem>>, %arg6: memref<128x32xf32, #tpu.memory_space<vmem>>, %arg7: memref<!tpu.dma_semaphore, #tpu.memory_space<semaphore_mem>>) attributes {dimension_semantics = [#tpu.dimension_semantics<core_parallel>, #tpu.dimension_semantics<subcore_parallel>], iteration_bounds = array<i64: 2, 16>, scalar_prefetch = 0 : i64, scratch_operands = 3 : i64, tpu.core_type = #tpu.core_type<sc_vector_subcore>, window_params = [{transform_indices = #map}, {transform_indices = #map1}, {transform_indices = #map}]} {
    %mul3A = arith.constant 2 : i32
    %mul3A_0 = arith.muli %arg1, %mul3A : i32
    %add3A = arith.addi %mul3A_0, %arg0 : i32
    %mul3A_1 = arith.constant 2560 : i32
    %mul3A_2 = arith.muli %add3A, %mul3A_1 : i32
    "tpu.region"() ({
      %run_scoped3A = tpu.sem_alloc : memref<!tpu.dma_semaphore, #tpu.memory_space<semaphore_mem>>
      %dma_start3A = tpu.memref_slice %arg3[%mul3A_2] : memref<81920xi32, #tpu.memory_space<hbm>> -> memref<2560xi32, #tpu.memory_space<hbm>>
      %dma_start3A_8 = tpu.memref_slice %arg3[%mul3A_2] : memref<81920xi32, #tpu.memory_space<hbm>> -> memref<2560xi32, #tpu.memory_space<hbm>>
      tpu.enqueue_dma source(%dma_start3A_8 : memref<2560xi32, #tpu.memory_space<hbm>>) target(%arg5 : memref<2560xi32, #tpu.memory_space<vmem>>) target_semaphore(%run_scoped3A : memref<!tpu.dma_semaphore, #tpu.memory_space<semaphore_mem>>)
      %dma_wait3A = tpu.memref_slice %arg3[%mul3A_2] : memref<81920xi32, #tpu.memory_space<hbm>> -> memref<2560xi32, #tpu.memory_space<hbm>>
      %dma_wait3A_9 = tpu.memref_slice %arg3[%mul3A_2] : memref<81920xi32, #tpu.memory_space<hbm>> -> memref<2560xi32, #tpu.memory_space<hbm>>
      tpu.wait_dma2 semaphore(%run_scoped3A : memref<!tpu.dma_semaphore, #tpu.memory_space<semaphore_mem>>) src(%dma_wait3A_9 : memref<2560xi32, #tpu.memory_space<hbm>>) dst(%arg5 : memref<2560xi32, #tpu.memory_space<vmem>>)
      tpu.yield
    }) : () -> ()
    %scan3A = arith.constant 0 : i32
    %scan3A_3 = arith.constant 0 : i32
    %scan3A_4 = arith.constant 20 : i32
    %scan3A_5 = arith.addi %scan3A_3, %scan3A_4 : i32
    %scan3A_6 = arith.constant 1 : i32
    scf.for %scan3A_8 = %scan3A_3 to %scan3A_5 step %scan3A_6  : i32 {
      %mul3A_9 = arith.constant 128 : i32
      %mul3A_10 = arith.muli %scan3A_8, %mul3A_9 : i32
      %multiple_of3A = tpu.assume_multiple %mul3A_10, 128 : i32
      %dma_start3A = tpu.memref_slice %arg5[%multiple_of3A] : memref<2560xi32, #tpu.memory_space<vmem>> -> memref<128xi32, #tpu.memory_space<vmem>>
      %dma_start3A_11 = arith.constant 0 : i32
      %dma_start3A_12 = arith.constant 0 : i32
      %dma_start3A_13 = tpu.memref_slice %arg2[%dma_start3A_11, %dma_start3A_12] : memref<1048576x32xf32, #tpu.memory_space<hbm>> -> memref<1048576x32xf32, #tpu.memory_space<hbm>>
      tpu.enqueue_indirect_dma source(%dma_start3A_13 : memref<1048576x32xf32, #tpu.memory_space<hbm>>) target(%arg6 : memref<128x32xf32, #tpu.memory_space<vmem>>) offsets(%dma_start3A : memref<128xi32, #tpu.memory_space<vmem>>) semaphore(%arg7 : memref<!tpu.dma_semaphore, #tpu.memory_space<semaphore_mem>>)
      %dma_wait3A = tpu.memref_slice %arg5[%multiple_of3A] : memref<2560xi32, #tpu.memory_space<vmem>> -> memref<128xi32, #tpu.memory_space<vmem>>
      %dma_wait3A_14 = arith.constant 0 : i32
      %dma_wait3A_15 = arith.constant 0 : i32
      %dma_wait3A_16 = tpu.memref_slice %arg2[%dma_wait3A_14, %dma_wait3A_15] : memref<1048576x32xf32, #tpu.memory_space<hbm>> -> memref<1048576x32xf32, #tpu.memory_space<hbm>>
      tpu.wait_indirect_dma semaphore(%arg7 : memref<!tpu.dma_semaphore, #tpu.memory_space<semaphore_mem>>) src(%dma_wait3A_16 : memref<1048576x32xf32, #tpu.memory_space<hbm>>) dst(%arg6 : memref<128x32xf32, #tpu.memory_space<vmem>>)
      %add3A_17 = arith.addi %mul3A_2, %multiple_of3A : i32
      "tpu.region"() ({
        %run_scoped3A = tpu.sem_alloc : memref<!tpu.dma_semaphore, #tpu.memory_space<semaphore_mem>>
        %dma_start3A_18 = arith.constant 0 : i32
        %dma_start3A_19 = tpu.memref_slice %arg4[%add3A_17, %dma_start3A_18] : memref<81920x32xf32, #tpu.memory_space<hbm>> -> memref<128x32xf32, #tpu.memory_space<hbm>>
        %dma_start3A_20 = arith.constant 0 : i32
        %dma_start3A_21 = tpu.memref_slice %arg4[%add3A_17, %dma_start3A_20] : memref<81920x32xf32, #tpu.memory_space<hbm>> -> memref<128x32xf32, #tpu.memory_space<hbm>>
        tpu.enqueue_dma source(%arg6 : memref<128x32xf32, #tpu.memory_space<vmem>>) target(%dma_start3A_21 : memref<128x32xf32, #tpu.memory_space<hbm>>) target_semaphore(%run_scoped3A : memref<!tpu.dma_semaphore, #tpu.memory_space<semaphore_mem>>)
        %dma_wait3A_22 = arith.constant 0 : i32
        %dma_wait3A_23 = tpu.memref_slice %arg4[%add3A_17, %dma_wait3A_22] : memref<81920x32xf32, #tpu.memory_space<hbm>> -> memref<128x32xf32, #tpu.memory_space<hbm>>
        %dma_wait3A_24 = arith.constant 0 : i32
        %dma_wait3A_25 = tpu.memref_slice %arg4[%add3A_17, %dma_wait3A_24] : memref<81920x32xf32, #tpu.memory_space<hbm>> -> memref<128x32xf32, #tpu.memory_space<hbm>>
        tpu.wait_dma2 semaphore(%run_scoped3A : memref<!tpu.dma_semaphore, #tpu.memory_space<semaphore_mem>>) src(%arg6 : memref<128x32xf32, #tpu.memory_space<vmem>>) dst(%dma_wait3A_25 : memref<128x32xf32, #tpu.memory_space<hbm>>)
        tpu.yield
      }) : () -> ()
    }
    %scan3A_7 = arith.constant 20 : i32
    return
  }
}

#map = affine_map<(d0, d1) -> (0, 0)>
#map1 = affine_map<(d0, d1) -> (0)>
module attributes {stable_mosaic.version = 14 : i64} {
  func.func @k(%arg0: i32, %arg1: i32, %arg2: memref<8192x64xf32, #tpu.memory_space<hbm>>, %arg3: memref<131072xi32, #tpu.memory_space<hbm>>, %arg4: memref<131072x64xf32, #tpu.memory_space<hbm>>, %arg5: memref<4096xi32, #tpu.memory_space<vmem>>, %arg6: memref<128x64xf32, #tpu.memory_space<vmem>>, %arg7: memref<!tpu.dma_semaphore, #tpu.memory_space<semaphore_mem>>) attributes {dimension_semantics = [#tpu.dimension_semantics<core_parallel>, #tpu.dimension_semantics<subcore_parallel>], iteration_bounds = array<i64: 2, 16>, scalar_prefetch = 0 : i64, scratch_operands = 3 : i64, tpu.core_type = #tpu.core_type<sc_vector_subcore>, window_params = [{transform_indices = #map}, {transform_indices = #map1}, {transform_indices = #map}]} {
    %mul3A = arith.constant 2 : i32
    %mul3A_0 = arith.muli %arg1, %mul3A : i32
    %add3A = arith.addi %mul3A_0, %arg0 : i32
    %mul3A_1 = arith.constant 4096 : i32
    %mul3A_2 = arith.muli %add3A, %mul3A_1 : i32
    "tpu.region"() ({
      %run_scoped3A = tpu.sem_alloc : memref<!tpu.dma_semaphore, #tpu.memory_space<semaphore_mem>>
      %dma_start3A = tpu.memref_slice %arg3[%mul3A_2] : memref<131072xi32, #tpu.memory_space<hbm>> -> memref<4096xi32, #tpu.memory_space<hbm>>
      %dma_start3A_8 = tpu.memref_slice %arg3[%mul3A_2] : memref<131072xi32, #tpu.memory_space<hbm>> -> memref<4096xi32, #tpu.memory_space<hbm>>
      tpu.enqueue_dma source(%dma_start3A_8 : memref<4096xi32, #tpu.memory_space<hbm>>) target(%arg5 : memref<4096xi32, #tpu.memory_space<vmem>>) target_semaphore(%run_scoped3A : memref<!tpu.dma_semaphore, #tpu.memory_space<semaphore_mem>>)
      %dma_wait3A = tpu.memref_slice %arg3[%mul3A_2] : memref<131072xi32, #tpu.memory_space<hbm>> -> memref<4096xi32, #tpu.memory_space<hbm>>
      %dma_wait3A_9 = tpu.memref_slice %arg3[%mul3A_2] : memref<131072xi32, #tpu.memory_space<hbm>> -> memref<4096xi32, #tpu.memory_space<hbm>>
      tpu.wait_dma2 semaphore(%run_scoped3A : memref<!tpu.dma_semaphore, #tpu.memory_space<semaphore_mem>>) src(%dma_wait3A_9 : memref<4096xi32, #tpu.memory_space<hbm>>) dst(%arg5 : memref<4096xi32, #tpu.memory_space<vmem>>)
      tpu.yield
    }) : () -> ()
    %scan3A = arith.constant 0 : i32
    %scan3A_3 = arith.constant 0 : i32
    %scan3A_4 = arith.constant 32 : i32
    %scan3A_5 = arith.addi %scan3A_3, %scan3A_4 : i32
    %scan3A_6 = arith.constant 1 : i32
    scf.for %scan3A_8 = %scan3A_3 to %scan3A_5 step %scan3A_6  : i32 {
      %mul3A_9 = arith.constant 128 : i32
      %mul3A_10 = arith.muli %scan3A_8, %mul3A_9 : i32
      %multiple_of3A = tpu.assume_multiple %mul3A_10, 128 : i32
      %dma_start3A = tpu.memref_slice %arg5[%multiple_of3A] : memref<4096xi32, #tpu.memory_space<vmem>> -> memref<128xi32, #tpu.memory_space<vmem>>
      %dma_start3A_11 = arith.constant 0 : i32
      %dma_start3A_12 = arith.constant 0 : i32
      %dma_start3A_13 = tpu.memref_slice %arg2[%dma_start3A_11, %dma_start3A_12] : memref<8192x64xf32, #tpu.memory_space<hbm>> -> memref<8192x64xf32, #tpu.memory_space<hbm>>
      tpu.enqueue_indirect_dma source(%dma_start3A_13 : memref<8192x64xf32, #tpu.memory_space<hbm>>) target(%arg6 : memref<128x64xf32, #tpu.memory_space<vmem>>) offsets(%dma_start3A : memref<128xi32, #tpu.memory_space<vmem>>) semaphore(%arg7 : memref<!tpu.dma_semaphore, #tpu.memory_space<semaphore_mem>>)
      %dma_wait3A = tpu.memref_slice %arg5[%multiple_of3A] : memref<4096xi32, #tpu.memory_space<vmem>> -> memref<128xi32, #tpu.memory_space<vmem>>
      %dma_wait3A_14 = arith.constant 0 : i32
      %dma_wait3A_15 = arith.constant 0 : i32
      %dma_wait3A_16 = tpu.memref_slice %arg2[%dma_wait3A_14, %dma_wait3A_15] : memref<8192x64xf32, #tpu.memory_space<hbm>> -> memref<8192x64xf32, #tpu.memory_space<hbm>>
      tpu.wait_indirect_dma semaphore(%arg7 : memref<!tpu.dma_semaphore, #tpu.memory_space<semaphore_mem>>) src(%dma_wait3A_16 : memref<8192x64xf32, #tpu.memory_space<hbm>>) dst(%arg6 : memref<128x64xf32, #tpu.memory_space<vmem>>)
      %add3A_17 = arith.addi %mul3A_2, %multiple_of3A : i32
      "tpu.region"() ({
        %run_scoped3A = tpu.sem_alloc : memref<!tpu.dma_semaphore, #tpu.memory_space<semaphore_mem>>
        %dma_start3A_18 = arith.constant 0 : i32
        %dma_start3A_19 = tpu.memref_slice %arg4[%add3A_17, %dma_start3A_18] : memref<131072x64xf32, #tpu.memory_space<hbm>> -> memref<128x64xf32, #tpu.memory_space<hbm>>
        %dma_start3A_20 = arith.constant 0 : i32
        %dma_start3A_21 = tpu.memref_slice %arg4[%add3A_17, %dma_start3A_20] : memref<131072x64xf32, #tpu.memory_space<hbm>> -> memref<128x64xf32, #tpu.memory_space<hbm>>
        tpu.enqueue_dma source(%arg6 : memref<128x64xf32, #tpu.memory_space<vmem>>) target(%dma_start3A_21 : memref<128x64xf32, #tpu.memory_space<hbm>>) target_semaphore(%run_scoped3A : memref<!tpu.dma_semaphore, #tpu.memory_space<semaphore_mem>>)
        %dma_wait3A_22 = arith.constant 0 : i32
        %dma_wait3A_23 = tpu.memref_slice %arg4[%add3A_17, %dma_wait3A_22] : memref<131072x64xf32, #tpu.memory_space<hbm>> -> memref<128x64xf32, #tpu.memory_space<hbm>>
        %dma_wait3A_24 = arith.constant 0 : i32
        %dma_wait3A_25 = tpu.memref_slice %arg4[%add3A_17, %dma_wait3A_24] : memref<131072x64xf32, #tpu.memory_space<hbm>> -> memref<128x64xf32, #tpu.memory_space<hbm>>
        tpu.wait_dma2 semaphore(%run_scoped3A : memref<!tpu.dma_semaphore, #tpu.memory_space<semaphore_mem>>) src(%arg6 : memref<128x64xf32, #tpu.memory_space<vmem>>) dst(%dma_wait3A_25 : memref<128x64xf32, #tpu.memory_space<hbm>>)
        tpu.yield
      }) : () -> ()
    }
    %scan3A_7 = arith.constant 32 : i32
    return
  }
}

#map = affine_map<(d0, d1) -> (0, 0)>
#map1 = affine_map<(d0, d1) -> (0)>
module attributes {stable_mosaic.version = 14 : i64} {
  func.func @k(%arg0: i32, %arg1: i32, %arg2: memref<1048576x32xf32, #tpu.memory_space<hbm>>, %arg3: memref<81920xi32, #tpu.memory_space<hbm>>, %arg4: memref<81920x32xf32, #tpu.memory_space<hbm>>, %arg5: memref<2560xi32, #tpu.memory_space<vmem>>, %arg6: memref<128x32xf32, #tpu.memory_space<vmem>>, %arg7: memref<!tpu.dma_semaphore, #tpu.memory_space<semaphore_mem>>) attributes {dimension_semantics = [#tpu.dimension_semantics<core_parallel>, #tpu.dimension_semantics<subcore_parallel>], iteration_bounds = array<i64: 2, 16>, scalar_prefetch = 0 : i64, scratch_operands = 3 : i64, tpu.core_type = #tpu.core_type<sc_vector_subcore>, window_params = [{transform_indices = #map}, {transform_indices = #map1}, {transform_indices = #map}]} {
    %mul3A = arith.constant 2 : i32
    %mul3A_0 = arith.muli %arg1, %mul3A : i32
    %add3A = arith.addi %mul3A_0, %arg0 : i32
    %mul3A_1 = arith.constant 2560 : i32
    %mul3A_2 = arith.muli %add3A, %mul3A_1 : i32
    "tpu.region"() ({
      %run_scoped3A = tpu.sem_alloc : memref<!tpu.dma_semaphore, #tpu.memory_space<semaphore_mem>>
      %dma_start3A = tpu.memref_slice %arg3[%mul3A_2] : memref<81920xi32, #tpu.memory_space<hbm>> -> memref<2560xi32, #tpu.memory_space<hbm>>
      %dma_start3A_8 = tpu.memref_slice %arg3[%mul3A_2] : memref<81920xi32, #tpu.memory_space<hbm>> -> memref<2560xi32, #tpu.memory_space<hbm>>
      tpu.enqueue_dma source(%dma_start3A_8 : memref<2560xi32, #tpu.memory_space<hbm>>) target(%arg5 : memref<2560xi32, #tpu.memory_space<vmem>>) target_semaphore(%run_scoped3A : memref<!tpu.dma_semaphore, #tpu.memory_space<semaphore_mem>>)
      %dma_wait3A = tpu.memref_slice %arg3[%mul3A_2] : memref<81920xi32, #tpu.memory_space<hbm>> -> memref<2560xi32, #tpu.memory_space<hbm>>
      %dma_wait3A_9 = tpu.memref_slice %arg3[%mul3A_2] : memref<81920xi32, #tpu.memory_space<hbm>> -> memref<2560xi32, #tpu.memory_space<hbm>>
      tpu.wait_dma2 semaphore(%run_scoped3A : memref<!tpu.dma_semaphore, #tpu.memory_space<semaphore_mem>>) src(%dma_wait3A_9 : memref<2560xi32, #tpu.memory_space<hbm>>) dst(%arg5 : memref<2560xi32, #tpu.memory_space<vmem>>)
      tpu.yield
    }) : () -> ()
    %scan3A = arith.constant 0 : i32
    %scan3A_3 = arith.constant 0 : i32
    %scan3A_4 = arith.constant 20 : i32
    %scan3A_5 = arith.addi %scan3A_3, %scan3A_4 : i32
    %scan3A_6 = arith.constant 1 : i32
    scf.for %scan3A_8 = %scan3A_3 to %scan3A_5 step %scan3A_6  : i32 {
      %mul3A_9 = arith.constant 128 : i32
      %mul3A_10 = arith.muli %scan3A_8, %mul3A_9 : i32
      %multiple_of3A = tpu.assume_multiple %mul3A_10, 128 : i32
      %dma_start3A = tpu.memref_slice %arg5[%multiple_of3A] : memref<2560xi32, #tpu.memory_space<vmem>> -> memref<128xi32, #tpu.memory_space<vmem>>
      %dma_start3A_11 = arith.constant 0 : i32
      %dma_start3A_12 = arith.constant 0 : i32
      %dma_start3A_13 = tpu.memref_slice %arg2[%dma_start3A_11, %dma_start3A_12] : memref<1048576x32xf32, #tpu.memory_space<hbm>> -> memref<1048576x32xf32, #tpu.memory_space<hbm>>
      tpu.enqueue_indirect_dma source(%dma_start3A_13 : memref<1048576x32xf32, #tpu.memory_space<hbm>>) target(%arg6 : memref<128x32xf32, #tpu.memory_space<vmem>>) offsets(%dma_start3A : memref<128xi32, #tpu.memory_space<vmem>>) semaphore(%arg7 : memref<!tpu.dma_semaphore, #tpu.memory_space<semaphore_mem>>)
      %dma_wait3A = tpu.memref_slice %arg5[%multiple_of3A] : memref<2560xi32, #tpu.memory_space<vmem>> -> memref<128xi32, #tpu.memory_space<vmem>>
      %dma_wait3A_14 = arith.constant 0 : i32
      %dma_wait3A_15 = arith.constant 0 : i32
      %dma_wait3A_16 = tpu.memref_slice %arg2[%dma_wait3A_14, %dma_wait3A_15] : memref<1048576x32xf32, #tpu.memory_space<hbm>> -> memref<1048576x32xf32, #tpu.memory_space<hbm>>
      tpu.wait_indirect_dma semaphore(%arg7 : memref<!tpu.dma_semaphore, #tpu.memory_space<semaphore_mem>>) src(%dma_wait3A_16 : memref<1048576x32xf32, #tpu.memory_space<hbm>>) dst(%arg6 : memref<128x32xf32, #tpu.memory_space<vmem>>)
      %add3A_17 = arith.addi %mul3A_2, %multiple_of3A : i32
      "tpu.region"() ({
        %run_scoped3A = tpu.sem_alloc : memref<!tpu.dma_semaphore, #tpu.memory_space<semaphore_mem>>
        %dma_start3A_18 = arith.constant 0 : i32
        %dma_start3A_19 = tpu.memref_slice %arg4[%add3A_17, %dma_start3A_18] : memref<81920x32xf32, #tpu.memory_space<hbm>> -> memref<128x32xf32, #tpu.memory_space<hbm>>
        %dma_start3A_20 = arith.constant 0 : i32
        %dma_start3A_21 = tpu.memref_slice %arg4[%add3A_17, %dma_start3A_20] : memref<81920x32xf32, #tpu.memory_space<hbm>> -> memref<128x32xf32, #tpu.memory_space<hbm>>
        tpu.enqueue_dma source(%arg6 : memref<128x32xf32, #tpu.memory_space<vmem>>) target(%dma_start3A_21 : memref<128x32xf32, #tpu.memory_space<hbm>>) target_semaphore(%run_scoped3A : memref<!tpu.dma_semaphore, #tpu.memory_space<semaphore_mem>>)
        %dma_wait3A_22 = arith.constant 0 : i32
        %dma_wait3A_23 = tpu.memref_slice %arg4[%add3A_17, %dma_wait3A_22] : memref<81920x32xf32, #tpu.memory_space<hbm>> -> memref<128x32xf32, #tpu.memory_space<hbm>>
        %dma_wait3A_24 = arith.constant 0 : i32
        %dma_wait3A_25 = tpu.memref_slice %arg4[%add3A_17, %dma_wait3A_24] : memref<81920x32xf32, #tpu.memory_space<hbm>> -> memref<128x32xf32, #tpu.memory_space<hbm>>
        tpu.wait_dma2 semaphore(%run_scoped3A : memref<!tpu.dma_semaphore, #tpu.memory_space<semaphore_mem>>) src(%arg6 : memref<128x32xf32, #tpu.memory_space<vmem>>) dst(%dma_wait3A_25 : memref<128x32xf32, #tpu.memory_space<hbm>>)
        tpu.yield
      }) : () -> ()
    }
    %scan3A_7 = arith.constant 20 : i32
    return
  }
}

module attributes {stable_mosaic.version = 14 : i64} {
  func.func @_dist_blocks_body(%arg0: i32, %arg1: memref<1x8192xf32, #tpu.memory_space<vmem>>, %arg2: memref<256x1xf32, #tpu.memory_space<vmem>>, %arg3: memref<256x8192xf32, #tpu.memory_space<vmem>>, %arg4: memref<256x256xf32, #tpu.memory_space<vmem>>, %arg5: memref<64x256x128xf32, #tpu.memory_space<vmem>>, %arg6: memref<256x20xi32, #tpu.memory_space<vmem>>) attributes {dimension_semantics = [#tpu.dimension_semantics<arbitrary>], iteration_bounds = array<i64: 16>, scalar_prefetch = 0 : i64, scratch_operands = 0 : i64, tpu.core_type = #tpu.core_type<tc>, window_params = [{pipeline_mode = #tpu.pipeline_mode<synchronous>, transform_indices = @transform_0, window_bounds = array<i64: 1, 8192>}, {transform_indices = @transform_1, window_bounds = array<i64: 256, 1>}, {pipeline_mode = #tpu.pipeline_mode<synchronous>, transform_indices = @transform_2, window_bounds = array<i64: 256, 8192>}, {transform_indices = @transform_3, window_bounds = array<i64: 256, 256>}, {transform_indices = @transform_4, window_bounds = array<i64: 64, 256, 128>}, {transform_indices = @transform_5, window_bounds = array<i64: 256, 20>}]} {
    %get3A = arith.constant 0 : index
    %get3A_0 = arith.constant 0 : index
    %get3A_1 = vector.load %arg4[%get3A, %get3A_0] : memref<256x256xf32, #tpu.memory_space<vmem>>, vector<256x256xf32>
    %get3A_2 = arith.constant 0 : index
    %get3A_3 = arith.constant 0 : index
    %get3A_4 = vector.load %arg3[%get3A_2, %get3A_3] : memref<256x8192xf32, #tpu.memory_space<vmem>>, vector<256x8192xf32>
    %dot_general3A = arith.constant dense<0.000000e+00> : vector<256x8192xf32>
    %dot_general3A_5 = tpu.matmul %get3A_1, %get3A_4, %dot_general3A {dimension_numbers = #tpu.dot_dimension_numbers<[0], [0], [1], [1], [0, 1, 1, 1], [], []>, transpose_lhs_hint = false} : vector<256x256xf32>, vector<256x8192xf32>, vector<256x8192xf32> -> vector<256x8192xf32>
    %get3A_6 = arith.constant 0 : index
    %get3A_7 = arith.constant 0 : index
    %get3A_8 = vector.load %arg1[%get3A_6, %get3A_7] : memref<1x8192xf32, #tpu.memory_space<vmem>>, vector<1x8192xf32>
    %get3A_9 = arith.constant 0 : index
    %get3A_10 = arith.constant 0 : index
    %get3A_11 = vector.load %arg2[%get3A_9, %get3A_10] : memref<256x1xf32, #tpu.memory_space<vmem>>, vector<256x1xf32>
    %add3A = vector.broadcast %get3A_8 : vector<1x8192xf32> to vector<256x8192xf32>
    %add3A_12 = vector.broadcast %get3A_11 : vector<256x1xf32> to vector<256x8192xf32>
    %add3A_13 = arith.addf %add3A, %add3A_12 : vector<256x8192xf32>
    %mul3A = arith.constant 2.000000e+00 : f32
    %mul3A_14 = vector.broadcast %mul3A : f32 to vector<256x8192xf32>
    %mul3A_15 = arith.mulf %mul3A_14, %dot_general3A_5 : vector<256x8192xf32>
    %sub3A = arith.subf %add3A_13, %mul3A_15 : vector<256x8192xf32>
    %max3A = arith.constant 0.000000e+00 : f32
    %max3A_16 = vector.broadcast %max3A : f32 to vector<256x8192xf32>
    %max3A_17 = arith.maximumf %sub3A, %max3A_16 : vector<256x8192xf32>
    %slice3A = vector.extract_strided_slice %max3A_17 {offsets = [0, 0], sizes = [256, 128], strides = [1, 1]} : vector<256x8192xf32> to vector<256x128xf32>
    %swap3A = arith.constant 0 : index
    %swap3A_18 = arith.constant 0 : index
    %swap3A_19 = arith.constant 0 : index
    %swap3A_20 = vector.load %arg5[%swap3A, %swap3A_18, %swap3A_19] : memref<64x256x128xf32, #tpu.memory_space<vmem>>, vector<1x256x128xf32>
    %swap3A_21 = vector.shape_cast %swap3A_20 : vector<1x256x128xf32> to vector<256x128xf32>
    %swap3A_22 = vector.shape_cast %slice3A : vector<256x128xf32> to vector<1x256x128xf32>
    tpu.vector_store %arg5[%swap3A, %swap3A_18, %swap3A_19], %swap3A_22 {strides = array<i32>} : memref<64x256x128xf32, #tpu.memory_space<vmem>>, vector<1x256x128xf32>,
    %slice3A_23 = vector.extract_strided_slice %max3A_17 {offsets = [0, 128], sizes = [256, 128], strides = [1, 1]} : vector<256x8192xf32> to vector<256x128xf32>
    %swap3A_24 = arith.constant 1 : index
    %swap3A_25 = arith.constant 0 : index
    %swap3A_26 = arith.constant 0 : index
    %swap3A_27 = vector.load %arg5[%swap3A_24, %swap3A_25, %swap3A_26] : memref<64x256x128xf32, #tpu.memory_space<vmem>>, vector<1x256x128xf32>
    %swap3A_28 = vector.shape_cast %swap3A_27 : vector<1x256x128xf32> to vector<256x128xf32>
    %swap3A_29 = vector.shape_cast %slice3A_23 : vector<256x128xf32> to vector<1x256x128xf32>
    tpu.vector_store %arg5[%swap3A_24, %swap3A_25, %swap3A_26], %swap3A_29 {strides = array<i32>} : memref<64x256x128xf32, #tpu.memory_space<vmem>>, vector<1x256x128xf32>,
    %slice3A_30 = vector.extract_strided_slice %max3A_17 {offsets = [0, 256], sizes = [256, 128], strides = [1, 1]} : vector<256x8192xf32> to vector<256x128xf32>
    %swap3A_31 = arith.constant 2 : index
    %swap3A_32 = arith.constant 0 : index
    %swap3A_33 = arith.constant 0 : index
    %swap3A_34 = vector.load %arg5[%swap3A_31, %swap3A_32, %swap3A_33] : memref<64x256x128xf32, #tpu.memory_space<vmem>>, vector<1x256x128xf32>
    %swap3A_35 = vector.shape_cast %swap3A_34 : vector<1x256x128xf32> to vector<256x128xf32>
    %swap3A_36 = vector.shape_cast %slice3A_30 : vector<256x128xf32> to vector<1x256x128xf32>
    tpu.vector_store %arg5[%swap3A_31, %swap3A_32, %swap3A_33], %swap3A_36 {strides = array<i32>} : memref<64x256x128xf32, #tpu.memory_space<vmem>>, vector<1x256x128xf32>,
    %slice3A_37 = vector.extract_strided_slice %max3A_17 {offsets = [0, 384], sizes = [256, 128], strides = [1, 1]} : vector<256x8192xf32> to vector<256x128xf32>
    %swap3A_38 = arith.constant 3 : index
    %swap3A_39 = arith.constant 0 : index
    %swap3A_40 = arith.constant 0 : index
    %swap3A_41 = vector.load %arg5[%swap3A_38, %swap3A_39, %swap3A_40] : memref<64x256x128xf32, #tpu.memory_space<vmem>>, vector<1x256x128xf32>
    %swap3A_42 = vector.shape_cast %swap3A_41 : vector<1x256x128xf32> to vector<256x128xf32>
    %swap3A_43 = vector.shape_cast %slice3A_37 : vector<256x128xf32> to vector<1x256x128xf32>
    tpu.vector_store %arg5[%swap3A_38, %swap3A_39, %swap3A_40], %swap3A_43 {strides = array<i32>} : memref<64x256x128xf32, #tpu.memory_space<vmem>>, vector<1x256x128xf32>,
    %slice3A_44 = vector.extract_strided_slice %max3A_17 {offsets = [0, 512], sizes = [256, 128], strides = [1, 1]} : vector<256x8192xf32> to vector<256x128xf32>
    %swap3A_45 = arith.constant 4 : index
    %swap3A_46 = arith.constant 0 : index
    %swap3A_47 = arith.constant 0 : index
    %swap3A_48 = vector.load %arg5[%swap3A_45, %swap3A_46, %swap3A_47] : memref<64x256x128xf32, #tpu.memory_space<vmem>>, vector<1x256x128xf32>
    %swap3A_49 = vector.shape_cast %swap3A_48 : vector<1x256x128xf32> to vector<256x128xf32>
    %swap3A_50 = vector.shape_cast %slice3A_44 : vector<256x128xf32> to vector<1x256x128xf32>
    tpu.vector_store %arg5[%swap3A_45, %swap3A_46, %swap3A_47], %swap3A_50 {strides = array<i32>} : memref<64x256x128xf32, #tpu.memory_space<vmem>>, vector<1x256x128xf32>,
    %slice3A_51 = vector.extract_strided_slice %max3A_17 {offsets = [0, 640], sizes = [256, 128], strides = [1, 1]} : vector<256x8192xf32> to vector<256x128xf32>
    %swap3A_52 = arith.constant 5 : index
    %swap3A_53 = arith.constant 0 : index
    %swap3A_54 = arith.constant 0 : index
    %swap3A_55 = vector.load %arg5[%swap3A_52, %swap3A_53, %swap3A_54] : memref<64x256x128xf32, #tpu.memory_space<vmem>>, vector<1x256x128xf32>
    %swap3A_56 = vector.shape_cast %swap3A_55 : vector<1x256x128xf32> to vector<256x128xf32>
    %swap3A_57 = vector.shape_cast %slice3A_51 : vector<256x128xf32> to vector<1x256x128xf32>
    tpu.vector_store %arg5[%swap3A_52, %swap3A_53, %swap3A_54], %swap3A_57 {strides = array<i32>} : memref<64x256x128xf32, #tpu.memory_space<vmem>>, vector<1x256x128xf32>,
    %slice3A_58 = vector.extract_strided_slice %max3A_17 {offsets = [0, 768], sizes = [256, 128], strides = [1, 1]} : vector<256x8192xf32> to vector<256x128xf32>
    %swap3A_59 = arith.constant 6 : index
    %swap3A_60 = arith.constant 0 : index
    %swap3A_61 = arith.constant 0 : index
    %swap3A_62 = vector.load %arg5[%swap3A_59, %swap3A_60, %swap3A_61] : memref<64x256x128xf32, #tpu.memory_space<vmem>>, vector<1x256x128xf32>
    %swap3A_63 = vector.shape_cast %swap3A_62 : vector<1x256x128xf32> to vector<256x128xf32>
    %swap3A_64 = vector.shape_cast %slice3A_58 : vector<256x128xf32> to vector<1x256x128xf32>
    tpu.vector_store %arg5[%swap3A_59, %swap3A_60, %swap3A_61], %swap3A_64 {strides = array<i32>} : memref<64x256x128xf32, #tpu.memory_space<vmem>>, vector<1x256x128xf32>,
    %slice3A_65 = vector.extract_strided_slice %max3A_17 {offsets = [0, 896], sizes = [256, 128], strides = [1, 1]} : vector<256x8192xf32> to vector<256x128xf32>
    %swap3A_66 = arith.constant 7 : index
    %swap3A_67 = arith.constant 0 : index
    %swap3A_68 = arith.constant 0 : index
    %swap3A_69 = vector.load %arg5[%swap3A_66, %swap3A_67, %swap3A_68] : memref<64x256x128xf32, #tpu.memory_space<vmem>>, vector<1x256x128xf32>
    %swap3A_70 = vector.shape_cast %swap3A_69 : vector<1x256x128xf32> to vector<256x128xf32>
    %swap3A_71 = vector.shape_cast %slice3A_65 : vector<256x128xf32> to vector<1x256x128xf32>
    tpu.vector_store %arg5[%swap3A_66, %swap3A_67, %swap3A_68], %swap3A_71 {strides = array<i32>} : memref<64x256x128xf32, #tpu.memory_space<vmem>>, vector<1x256x128xf32>,
    %slice3A_72 = vector.extract_strided_slice %max3A_17 {offsets = [0, 1024], sizes = [256, 128], strides = [1, 1]} : vector<256x8192xf32> to vector<256x128xf32>
    %swap3A_73 = arith.constant 8 : index
    %swap3A_74 = arith.constant 0 : index
    %swap3A_75 = arith.constant 0 : index
    %swap3A_76 = vector.load %arg5[%swap3A_73, %swap3A_74, %swap3A_75] : memref<64x256x128xf32, #tpu.memory_space<vmem>>, vector<1x256x128xf32>
    %swap3A_77 = vector.shape_cast %swap3A_76 : vector<1x256x128xf32> to vector<256x128xf32>
    %swap3A_78 = vector.shape_cast %slice3A_72 : vector<256x128xf32> to vector<1x256x128xf32>
    tpu.vector_store %arg5[%swap3A_73, %swap3A_74, %swap3A_75], %swap3A_78 {strides = array<i32>} : memref<64x256x128xf32, #tpu.memory_space<vmem>>, vector<1x256x128xf32>,
    %slice3A_79 = vector.extract_strided_slice %max3A_17 {offsets = [0, 1152], sizes = [256, 128], strides = [1, 1]} : vector<256x8192xf32> to vector<256x128xf32>
    %swap3A_80 = arith.constant 9 : index
    %swap3A_81 = arith.constant 0 : index
    %swap3A_82 = arith.constant 0 : index
    %swap3A_83 = vector.load %arg5[%swap3A_80, %swap3A_81, %swap3A_82] : memref<64x256x128xf32, #tpu.memory_space<vmem>>, vector<1x256x128xf32>
    %swap3A_84 = vector.shape_cast %swap3A_83 : vector<1x256x128xf32> to vector<256x128xf32>
    %swap3A_85 = vector.shape_cast %slice3A_79 : vector<256x128xf32> to vector<1x256x128xf32>
    tpu.vector_store %arg5[%swap3A_80, %swap3A_81, %swap3A_82], %swap3A_85 {strides = array<i32>} : memref<64x256x128xf32, #tpu.memory_space<vmem>>, vector<1x256x128xf32>,
    %slice3A_86 = vector.extract_strided_slice %max3A_17 {offsets = [0, 1280], sizes = [256, 128], strides = [1, 1]} : vector<256x8192xf32> to vector<256x128xf32>
    %swap3A_87 = arith.constant 10 : index
    %swap3A_88 = arith.constant 0 : index
    %swap3A_89 = arith.constant 0 : index
    %swap3A_90 = vector.load %arg5[%swap3A_87, %swap3A_88, %swap3A_89] : memref<64x256x128xf32, #tpu.memory_space<vmem>>, vector<1x256x128xf32>
    %swap3A_91 = vector.shape_cast %swap3A_90 : vector<1x256x128xf32> to vector<256x128xf32>
    %swap3A_92 = vector.shape_cast %slice3A_86 : vector<256x128xf32> to vector<1x256x128xf32>
    tpu.vector_store %arg5[%swap3A_87, %swap3A_88, %swap3A_89], %swap3A_92 {strides = array<i32>} : memref<64x256x128xf32, #tpu.memory_space<vmem>>, vector<1x256x128xf32>,
    %slice3A_93 = vector.extract_strided_slice %max3A_17 {offsets = [0, 1408], sizes = [256, 128], strides = [1, 1]} : vector<256x8192xf32> to vector<256x128xf32>
    %swap3A_94 = arith.constant 11 : index
    %swap3A_95 = arith.constant 0 : index
    %swap3A_96 = arith.constant 0 : index
    %swap3A_97 = vector.load %arg5[%swap3A_94, %swap3A_95, %swap3A_96] : memref<64x256x128xf32, #tpu.memory_space<vmem>>, vector<1x256x128xf32>
    %swap3A_98 = vector.shape_cast %swap3A_97 : vector<1x256x128xf32> to vector<256x128xf32>
    %swap3A_99 = vector.shape_cast %slice3A_93 : vector<256x128xf32> to vector<1x256x128xf32>
    tpu.vector_store %arg5[%swap3A_94, %swap3A_95, %swap3A_96], %swap3A_99 {strides = array<i32>} : memref<64x256x128xf32, #tpu.memory_space<vmem>>, vector<1x256x128xf32>,
    %slice3A_100 = vector.extract_strided_slice %max3A_17 {offsets = [0, 1536], sizes = [256, 128], strides = [1, 1]} : vector<256x8192xf32> to vector<256x128xf32>
    %swap3A_101 = arith.constant 12 : index
    %swap3A_102 = arith.constant 0 : index
    %swap3A_103 = arith.constant 0 : index
    %swap3A_104 = vector.load %arg5[%swap3A_101, %swap3A_102, %swap3A_103] : memref<64x256x128xf32, #tpu.memory_space<vmem>>, vector<1x256x128xf32>
    %swap3A_105 = vector.shape_cast %swap3A_104 : vector<1x256x128xf32> to vector<256x128xf32>
    %swap3A_106 = vector.shape_cast %slice3A_100 : vector<256x128xf32> to vector<1x256x128xf32>
    tpu.vector_store %arg5[%swap3A_101, %swap3A_102, %swap3A_103], %swap3A_106 {strides = array<i32>} : memref<64x256x128xf32, #tpu.memory_space<vmem>>, vector<1x256x128xf32>,
    %slice3A_107 = vector.extract_strided_slice %max3A_17 {offsets = [0, 1664], sizes = [256, 128], strides = [1, 1]} : vector<256x8192xf32> to vector<256x128xf32>
    %swap3A_108 = arith.constant 13 : index
    %swap3A_109 = arith.constant 0 : index
    %swap3A_110 = arith.constant 0 : index
    %swap3A_111 = vector.load %arg5[%swap3A_108, %swap3A_109, %swap3A_110] : memref<64x256x128xf32, #tpu.memory_space<vmem>>, vector<1x256x128xf32>
    %swap3A_112 = vector.shape_cast %swap3A_111 : vector<1x256x128xf32> to vector<256x128xf32>
    %swap3A_113 = vector.shape_cast %slice3A_107 : vector<256x128xf32> to vector<1x256x128xf32>
    tpu.vector_store %arg5[%swap3A_108, %swap3A_109, %swap3A_110], %swap3A_113 {strides = array<i32>} : memref<64x256x128xf32, #tpu.memory_space<vmem>>, vector<1x256x128xf32>,
    %slice3A_114 = vector.extract_strided_slice %max3A_17 {offsets = [0, 1792], sizes = [256, 128], strides = [1, 1]} : vector<256x8192xf32> to vector<256x128xf32>
    %swap3A_115 = arith.constant 14 : index
    %swap3A_116 = arith.constant 0 : index
    %swap3A_117 = arith.constant 0 : index
    %swap3A_118 = vector.load %arg5[%swap3A_115, %swap3A_116, %swap3A_117] : memref<64x256x128xf32, #tpu.memory_space<vmem>>, vector<1x256x128xf32>
    %swap3A_119 = vector.shape_cast %swap3A_118 : vector<1x256x128xf32> to vector<256x128xf32>
    %swap3A_120 = vector.shape_cast %slice3A_114 : vector<256x128xf32> to vector<1x256x128xf32>
    tpu.vector_store %arg5[%swap3A_115, %swap3A_116, %swap3A_117], %swap3A_120 {strides = array<i32>} : memref<64x256x128xf32, #tpu.memory_space<vmem>>, vector<1x256x128xf32>,
    %slice3A_121 = vector.extract_strided_slice %max3A_17 {offsets = [0, 1920], sizes = [256, 128], strides = [1, 1]} : vector<256x8192xf32> to vector<256x128xf32>
    %swap3A_122 = arith.constant 15 : index
    %swap3A_123 = arith.constant 0 : index
    %swap3A_124 = arith.constant 0 : index
    %swap3A_125 = vector.load %arg5[%swap3A_122, %swap3A_123, %swap3A_124] : memref<64x256x128xf32, #tpu.memory_space<vmem>>, vector<1x256x128xf32>
    %swap3A_126 = vector.shape_cast %swap3A_125 : vector<1x256x128xf32> to vector<256x128xf32>
    %swap3A_127 = vector.shape_cast %slice3A_121 : vector<256x128xf32> to vector<1x256x128xf32>
    tpu.vector_store %arg5[%swap3A_122, %swap3A_123, %swap3A_124], %swap3A_127 {strides = array<i32>} : memref<64x256x128xf32, #tpu.memory_space<vmem>>, vector<1x256x128xf32>,
    %slice3A_128 = vector.extract_strided_slice %max3A_17 {offsets = [0, 2048], sizes = [256, 128], strides = [1, 1]} : vector<256x8192xf32> to vector<256x128xf32>
    %swap3A_129 = arith.constant 16 : index
    %swap3A_130 = arith.constant 0 : index
    %swap3A_131 = arith.constant 0 : index
    %swap3A_132 = vector.load %arg5[%swap3A_129, %swap3A_130, %swap3A_131] : memref<64x256x128xf32, #tpu.memory_space<vmem>>, vector<1x256x128xf32>
    %swap3A_133 = vector.shape_cast %swap3A_132 : vector<1x256x128xf32> to vector<256x128xf32>
    %swap3A_134 = vector.shape_cast %slice3A_128 : vector<256x128xf32> to vector<1x256x128xf32>
    tpu.vector_store %arg5[%swap3A_129, %swap3A_130, %swap3A_131], %swap3A_134 {strides = array<i32>} : memref<64x256x128xf32, #tpu.memory_space<vmem>>, vector<1x256x128xf32>,
    %slice3A_135 = vector.extract_strided_slice %max3A_17 {offsets = [0, 2176], sizes = [256, 128], strides = [1, 1]} : vector<256x8192xf32> to vector<256x128xf32>
    %swap3A_136 = arith.constant 17 : index
    %swap3A_137 = arith.constant 0 : index
    %swap3A_138 = arith.constant 0 : index
    %swap3A_139 = vector.load %arg5[%swap3A_136, %swap3A_137, %swap3A_138] : memref<64x256x128xf32, #tpu.memory_space<vmem>>, vector<1x256x128xf32>
    %swap3A_140 = vector.shape_cast %swap3A_139 : vector<1x256x128xf32> to vector<256x128xf32>
    %swap3A_141 = vector.shape_cast %slice3A_135 : vector<256x128xf32> to vector<1x256x128xf32>
    tpu.vector_store %arg5[%swap3A_136, %swap3A_137, %swap3A_138], %swap3A_141 {strides = array<i32>} : memref<64x256x128xf32, #tpu.memory_space<vmem>>, vector<1x256x128xf32>,
    %slice3A_142 = vector.extract_strided_slice %max3A_17 {offsets = [0, 2304], sizes = [256, 128], strides = [1, 1]} : vector<256x8192xf32> to vector<256x128xf32>
    %swap3A_143 = arith.constant 18 : index
    %swap3A_144 = arith.constant 0 : index
    %swap3A_145 = arith.constant 0 : index
    %swap3A_146 = vector.load %arg5[%swap3A_143, %swap3A_144, %swap3A_145] : memref<64x256x128xf32, #tpu.memory_space<vmem>>, vector<1x256x128xf32>
    %swap3A_147 = vector.shape_cast %swap3A_146 : vector<1x256x128xf32> to vector<256x128xf32>
    %swap3A_148 = vector.shape_cast %slice3A_142 : vector<256x128xf32> to vector<1x256x128xf32>
    tpu.vector_store %arg5[%swap3A_143, %swap3A_144, %swap3A_145], %swap3A_148 {strides = array<i32>} : memref<64x256x128xf32, #tpu.memory_space<vmem>>, vector<1x256x128xf32>,
    %slice3A_149 = vector.extract_strided_slice %max3A_17 {offsets = [0, 2432], sizes = [256, 128], strides = [1, 1]} : vector<256x8192xf32> to vector<256x128xf32>
    %swap3A_150 = arith.constant 19 : index
    %swap3A_151 = arith.constant 0 : index
    %swap3A_152 = arith.constant 0 : index
    %swap3A_153 = vector.load %arg5[%swap3A_150, %swap3A_151, %swap3A_152] : memref<64x256x128xf32, #tpu.memory_space<vmem>>, vector<1x256x128xf32>
    %swap3A_154 = vector.shape_cast %swap3A_153 : vector<1x256x128xf32> to vector<256x128xf32>
    %swap3A_155 = vector.shape_cast %slice3A_149 : vector<256x128xf32> to vector<1x256x128xf32>
    tpu.vector_store %arg5[%swap3A_150, %swap3A_151, %swap3A_152], %swap3A_155 {strides = array<i32>} : memref<64x256x128xf32, #tpu.memory_space<vmem>>, vector<1x256x128xf32>,
    %slice3A_156 = vector.extract_strided_slice %max3A_17 {offsets = [0, 2560], sizes = [256, 128], strides = [1, 1]} : vector<256x8192xf32> to vector<256x128xf32>
    %swap3A_157 = arith.constant 20 : index
    %swap3A_158 = arith.constant 0 : index
    %swap3A_159 = arith.constant 0 : index
    %swap3A_160 = vector.load %arg5[%swap3A_157, %swap3A_158, %swap3A_159] : memref<64x256x128xf32, #tpu.memory_space<vmem>>, vector<1x256x128xf32>
    %swap3A_161 = vector.shape_cast %swap3A_160 : vector<1x256x128xf32> to vector<256x128xf32>
    %swap3A_162 = vector.shape_cast %slice3A_156 : vector<256x128xf32> to vector<1x256x128xf32>
    tpu.vector_store %arg5[%swap3A_157, %swap3A_158, %swap3A_159], %swap3A_162 {strides = array<i32>} : memref<64x256x128xf32, #tpu.memory_space<vmem>>, vector<1x256x128xf32>,
    %slice3A_163 = vector.extract_strided_slice %max3A_17 {offsets = [0, 2688], sizes = [256, 128], strides = [1, 1]} : vector<256x8192xf32> to vector<256x128xf32>
    %swap3A_164 = arith.constant 21 : index
    %swap3A_165 = arith.constant 0 : index
    %swap3A_166 = arith.constant 0 : index
    %swap3A_167 = vector.load %arg5[%swap3A_164, %swap3A_165, %swap3A_166] : memref<64x256x128xf32, #tpu.memory_space<vmem>>, vector<1x256x128xf32>
    %swap3A_168 = vector.shape_cast %swap3A_167 : vector<1x256x128xf32> to vector<256x128xf32>
    %swap3A_169 = vector.shape_cast %slice3A_163 : vector<256x128xf32> to vector<1x256x128xf32>
    tpu.vector_store %arg5[%swap3A_164, %swap3A_165, %swap3A_166], %swap3A_169 {strides = array<i32>} : memref<64x256x128xf32, #tpu.memory_space<vmem>>, vector<1x256x128xf32>,
    %slice3A_170 = vector.extract_strided_slice %max3A_17 {offsets = [0, 2816], sizes = [256, 128], strides = [1, 1]} : vector<256x8192xf32> to vector<256x128xf32>
    %swap3A_171 = arith.constant 22 : index
    %swap3A_172 = arith.constant 0 : index
    %swap3A_173 = arith.constant 0 : index
    %swap3A_174 = vector.load %arg5[%swap3A_171, %swap3A_172, %swap3A_173] : memref<64x256x128xf32, #tpu.memory_space<vmem>>, vector<1x256x128xf32>
    %swap3A_175 = vector.shape_cast %swap3A_174 : vector<1x256x128xf32> to vector<256x128xf32>
    %swap3A_176 = vector.shape_cast %slice3A_170 : vector<256x128xf32> to vector<1x256x128xf32>
    tpu.vector_store %arg5[%swap3A_171, %swap3A_172, %swap3A_173], %swap3A_176 {strides = array<i32>} : memref<64x256x128xf32, #tpu.memory_space<vmem>>, vector<1x256x128xf32>,
    %slice3A_177 = vector.extract_strided_slice %max3A_17 {offsets = [0, 2944], sizes = [256, 128], strides = [1, 1]} : vector<256x8192xf32> to vector<256x128xf32>
    %swap3A_178 = arith.constant 23 : index
    %swap3A_179 = arith.constant 0 : index
    %swap3A_180 = arith.constant 0 : index
    %swap3A_181 = vector.load %arg5[%swap3A_178, %swap3A_179, %swap3A_180] : memref<64x256x128xf32, #tpu.memory_space<vmem>>, vector<1x256x128xf32>
    %swap3A_182 = vector.shape_cast %swap3A_181 : vector<1x256x128xf32> to vector<256x128xf32>
    %swap3A_183 = vector.shape_cast %slice3A_177 : vector<256x128xf32> to vector<1x256x128xf32>
    tpu.vector_store %arg5[%swap3A_178, %swap3A_179, %swap3A_180], %swap3A_183 {strides = array<i32>} : memref<64x256x128xf32, #tpu.memory_space<vmem>>, vector<1x256x128xf32>,
    %slice3A_184 = vector.extract_strided_slice %max3A_17 {offsets = [0, 3072], sizes = [256, 128], strides = [1, 1]} : vector<256x8192xf32> to vector<256x128xf32>
    %swap3A_185 = arith.constant 24 : index
    %swap3A_186 = arith.constant 0 : index
    %swap3A_187 = arith.constant 0 : index
    %swap3A_188 = vector.load %arg5[%swap3A_185, %swap3A_186, %swap3A_187] : memref<64x256x128xf32, #tpu.memory_space<vmem>>, vector<1x256x128xf32>
    %swap3A_189 = vector.shape_cast %swap3A_188 : vector<1x256x128xf32> to vector<256x128xf32>
    %swap3A_190 = vector.shape_cast %slice3A_184 : vector<256x128xf32> to vector<1x256x128xf32>
    tpu.vector_store %arg5[%swap3A_185, %swap3A_186, %swap3A_187], %swap3A_190 {strides = array<i32>} : memref<64x256x128xf32, #tpu.memory_space<vmem>>, vector<1x256x128xf32>,
    %slice3A_191 = vector.extract_strided_slice %max3A_17 {offsets = [0, 3200], sizes = [256, 128], strides = [1, 1]} : vector<256x8192xf32> to vector<256x128xf32>
    %swap3A_192 = arith.constant 25 : index
    %swap3A_193 = arith.constant 0 : index
    %swap3A_194 = arith.constant 0 : index
    %swap3A_195 = vector.load %arg5[%swap3A_192, %swap3A_193, %swap3A_194] : memref<64x256x128xf32, #tpu.memory_space<vmem>>, vector<1x256x128xf32>
    %swap3A_196 = vector.shape_cast %swap3A_195 : vector<1x256x128xf32> to vector<256x128xf32>
    %swap3A_197 = vector.shape_cast %slice3A_191 : vector<256x128xf32> to vector<1x256x128xf32>
    tpu.vector_store %arg5[%swap3A_192, %swap3A_193, %swap3A_194], %swap3A_197 {strides = array<i32>} : memref<64x256x128xf32, #tpu.memory_space<vmem>>, vector<1x256x128xf32>,
    %slice3A_198 = vector.extract_strided_slice %max3A_17 {offsets = [0, 3328], sizes = [256, 128], strides = [1, 1]} : vector<256x8192xf32> to vector<256x128xf32>
    %swap3A_199 = arith.constant 26 : index
    %swap3A_200 = arith.constant 0 : index
    %swap3A_201 = arith.constant 0 : index
    %swap3A_202 = vector.load %arg5[%swap3A_199, %swap3A_200, %swap3A_201] : memref<64x256x128xf32, #tpu.memory_space<vmem>>, vector<1x256x128xf32>
    %swap3A_203 = vector.shape_cast %swap3A_202 : vector<1x256x128xf32> to vector<256x128xf32>
    %swap3A_204 = vector.shape_cast %slice3A_198 : vector<256x128xf32> to vector<1x256x128xf32>
    tpu.vector_store %arg5[%swap3A_199, %swap3A_200, %swap3A_201], %swap3A_204 {strides = array<i32>} : memref<64x256x128xf32, #tpu.memory_space<vmem>>, vector<1x256x128xf32>,
    %slice3A_205 = vector.extract_strided_slice %max3A_17 {offsets = [0, 3456], sizes = [256, 128], strides = [1, 1]} : vector<256x8192xf32> to vector<256x128xf32>
    %swap3A_206 = arith.constant 27 : index
    %swap3A_207 = arith.constant 0 : index
    %swap3A_208 = arith.constant 0 : index
    %swap3A_209 = vector.load %arg5[%swap3A_206, %swap3A_207, %swap3A_208] : memref<64x256x128xf32, #tpu.memory_space<vmem>>, vector<1x256x128xf32>
    %swap3A_210 = vector.shape_cast %swap3A_209 : vector<1x256x128xf32> to vector<256x128xf32>
    %swap3A_211 = vector.shape_cast %slice3A_205 : vector<256x128xf32> to vector<1x256x128xf32>
    tpu.vector_store %arg5[%swap3A_206, %swap3A_207, %swap3A_208], %swap3A_211 {strides = array<i32>} : memref<64x256x128xf32, #tpu.memory_space<vmem>>, vector<1x256x128xf32>,
    %slice3A_212 = vector.extract_strided_slice %max3A_17 {offsets = [0, 3584], sizes = [256, 128], strides = [1, 1]} : vector<256x8192xf32> to vector<256x128xf32>
    %swap3A_213 = arith.constant 28 : index
    %swap3A_214 = arith.constant 0 : index
    %swap3A_215 = arith.constant 0 : index
    %swap3A_216 = vector.load %arg5[%swap3A_213, %swap3A_214, %swap3A_215] : memref<64x256x128xf32, #tpu.memory_space<vmem>>, vector<1x256x128xf32>
    %swap3A_217 = vector.shape_cast %swap3A_216 : vector<1x256x128xf32> to vector<256x128xf32>
    %swap3A_218 = vector.shape_cast %slice3A_212 : vector<256x128xf32> to vector<1x256x128xf32>
    tpu.vector_store %arg5[%swap3A_213, %swap3A_214, %swap3A_215], %swap3A_218 {strides = array<i32>} : memref<64x256x128xf32, #tpu.memory_space<vmem>>, vector<1x256x128xf32>,
    %slice3A_219 = vector.extract_strided_slice %max3A_17 {offsets = [0, 3712], sizes = [256, 128], strides = [1, 1]} : vector<256x8192xf32> to vector<256x128xf32>
    %swap3A_220 = arith.constant 29 : index
    %swap3A_221 = arith.constant 0 : index
    %swap3A_222 = arith.constant 0 : index
    %swap3A_223 = vector.load %arg5[%swap3A_220, %swap3A_221, %swap3A_222] : memref<64x256x128xf32, #tpu.memory_space<vmem>>, vector<1x256x128xf32>
    %swap3A_224 = vector.shape_cast %swap3A_223 : vector<1x256x128xf32> to vector<256x128xf32>
    %swap3A_225 = vector.shape_cast %slice3A_219 : vector<256x128xf32> to vector<1x256x128xf32>
    tpu.vector_store %arg5[%swap3A_220, %swap3A_221, %swap3A_222], %swap3A_225 {strides = array<i32>} : memref<64x256x128xf32, #tpu.memory_space<vmem>>, vector<1x256x128xf32>,
    %slice3A_226 = vector.extract_strided_slice %max3A_17 {offsets = [0, 3840], sizes = [256, 128], strides = [1, 1]} : vector<256x8192xf32> to vector<256x128xf32>
    %swap3A_227 = arith.constant 30 : index
    %swap3A_228 = arith.constant 0 : index
    %swap3A_229 = arith.constant 0 : index
    %swap3A_230 = vector.load %arg5[%swap3A_227, %swap3A_228, %swap3A_229] : memref<64x256x128xf32, #tpu.memory_space<vmem>>, vector<1x256x128xf32>
    %swap3A_231 = vector.shape_cast %swap3A_230 : vector<1x256x128xf32> to vector<256x128xf32>
    %swap3A_232 = vector.shape_cast %slice3A_226 : vector<256x128xf32> to vector<1x256x128xf32>
    tpu.vector_store %arg5[%swap3A_227, %swap3A_228, %swap3A_229], %swap3A_232 {strides = array<i32>} : memref<64x256x128xf32, #tpu.memory_space<vmem>>, vector<1x256x128xf32>,
    %slice3A_233 = vector.extract_strided_slice %max3A_17 {offsets = [0, 3968], sizes = [256, 128], strides = [1, 1]} : vector<256x8192xf32> to vector<256x128xf32>
    %swap3A_234 = arith.constant 31 : index
    %swap3A_235 = arith.constant 0 : index
    %swap3A_236 = arith.constant 0 : index
    %swap3A_237 = vector.load %arg5[%swap3A_234, %swap3A_235, %swap3A_236] : memref<64x256x128xf32, #tpu.memory_space<vmem>>, vector<1x256x128xf32>
    %swap3A_238 = vector.shape_cast %swap3A_237 : vector<1x256x128xf32> to vector<256x128xf32>
    %swap3A_239 = vector.shape_cast %slice3A_233 : vector<256x128xf32> to vector<1x256x128xf32>
    tpu.vector_store %arg5[%swap3A_234, %swap3A_235, %swap3A_236], %swap3A_239 {strides = array<i32>} : memref<64x256x128xf32, #tpu.memory_space<vmem>>, vector<1x256x128xf32>,
    %slice3A_240 = vector.extract_strided_slice %max3A_17 {offsets = [0, 4096], sizes = [256, 128], strides = [1, 1]} : vector<256x8192xf32> to vector<256x128xf32>
    %swap3A_241 = arith.constant 32 : index
    %swap3A_242 = arith.constant 0 : index
    %swap3A_243 = arith.constant 0 : index
    %swap3A_244 = vector.load %arg5[%swap3A_241, %swap3A_242, %swap3A_243] : memref<64x256x128xf32, #tpu.memory_space<vmem>>, vector<1x256x128xf32>
    %swap3A_245 = vector.shape_cast %swap3A_244 : vector<1x256x128xf32> to vector<256x128xf32>
    %swap3A_246 = vector.shape_cast %slice3A_240 : vector<256x128xf32> to vector<1x256x128xf32>
    tpu.vector_store %arg5[%swap3A_241, %swap3A_242, %swap3A_243], %swap3A_246 {strides = array<i32>} : memref<64x256x128xf32, #tpu.memory_space<vmem>>, vector<1x256x128xf32>,
    %slice3A_247 = vector.extract_strided_slice %max3A_17 {offsets = [0, 4224], sizes = [256, 128], strides = [1, 1]} : vector<256x8192xf32> to vector<256x128xf32>
    %swap3A_248 = arith.constant 33 : index
    %swap3A_249 = arith.constant 0 : index
    %swap3A_250 = arith.constant 0 : index
    %swap3A_251 = vector.load %arg5[%swap3A_248, %swap3A_249, %swap3A_250] : memref<64x256x128xf32, #tpu.memory_space<vmem>>, vector<1x256x128xf32>
    %swap3A_252 = vector.shape_cast %swap3A_251 : vector<1x256x128xf32> to vector<256x128xf32>
    %swap3A_253 = vector.shape_cast %slice3A_247 : vector<256x128xf32> to vector<1x256x128xf32>
    tpu.vector_store %arg5[%swap3A_248, %swap3A_249, %swap3A_250], %swap3A_253 {strides = array<i32>} : memref<64x256x128xf32, #tpu.memory_space<vmem>>, vector<1x256x128xf32>,
    %slice3A_254 = vector.extract_strided_slice %max3A_17 {offsets = [0, 4352], sizes = [256, 128], strides = [1, 1]} : vector<256x8192xf32> to vector<256x128xf32>
    %swap3A_255 = arith.constant 34 : index
    %swap3A_256 = arith.constant 0 : index
    %swap3A_257 = arith.constant 0 : index
    %swap3A_258 = vector.load %arg5[%swap3A_255, %swap3A_256, %swap3A_257] : memref<64x256x128xf32, #tpu.memory_space<vmem>>, vector<1x256x128xf32>
    %swap3A_259 = vector.shape_cast %swap3A_258 : vector<1x256x128xf32> to vector<256x128xf32>
    %swap3A_260 = vector.shape_cast %slice3A_254 : vector<256x128xf32> to vector<1x256x128xf32>
    tpu.vector_store %arg5[%swap3A_255, %swap3A_256, %swap3A_257], %swap3A_260 {strides = array<i32>} : memref<64x256x128xf32, #tpu.memory_space<vmem>>, vector<1x256x128xf32>,
    %slice3A_261 = vector.extract_strided_slice %max3A_17 {offsets = [0, 4480], sizes = [256, 128], strides = [1, 1]} : vector<256x8192xf32> to vector<256x128xf32>
    %swap3A_262 = arith.constant 35 : index
    %swap3A_263 = arith.constant 0 : index
    %swap3A_264 = arith.constant 0 : index
    %swap3A_265 = vector.load %arg5[%swap3A_262, %swap3A_263, %swap3A_264] : memref<64x256x128xf32, #tpu.memory_space<vmem>>, vector<1x256x128xf32>
    %swap3A_266 = vector.shape_cast %swap3A_265 : vector<1x256x128xf32> to vector<256x128xf32>
    %swap3A_267 = vector.shape_cast %slice3A_261 : vector<256x128xf32> to vector<1x256x128xf32>
    tpu.vector_store %arg5[%swap3A_262, %swap3A_263, %swap3A_264], %swap3A_267 {strides = array<i32>} : memref<64x256x128xf32, #tpu.memory_space<vmem>>, vector<1x256x128xf32>,
    %slice3A_268 = vector.extract_strided_slice %max3A_17 {offsets = [0, 4608], sizes = [256, 128], strides = [1, 1]} : vector<256x8192xf32> to vector<256x128xf32>
    %swap3A_269 = arith.constant 36 : index
    %swap3A_270 = arith.constant 0 : index
    %swap3A_271 = arith.constant 0 : index
    %swap3A_272 = vector.load %arg5[%swap3A_269, %swap3A_270, %swap3A_271] : memref<64x256x128xf32, #tpu.memory_space<vmem>>, vector<1x256x128xf32>
    %swap3A_273 = vector.shape_cast %swap3A_272 : vector<1x256x128xf32> to vector<256x128xf32>
    %swap3A_274 = vector.shape_cast %slice3A_268 : vector<256x128xf32> to vector<1x256x128xf32>
    tpu.vector_store %arg5[%swap3A_269, %swap3A_270, %swap3A_271], %swap3A_274 {strides = array<i32>} : memref<64x256x128xf32, #tpu.memory_space<vmem>>, vector<1x256x128xf32>,
    %slice3A_275 = vector.extract_strided_slice %max3A_17 {offsets = [0, 4736], sizes = [256, 128], strides = [1, 1]} : vector<256x8192xf32> to vector<256x128xf32>
    %swap3A_276 = arith.constant 37 : index
    %swap3A_277 = arith.constant 0 : index
    %swap3A_278 = arith.constant 0 : index
    %swap3A_279 = vector.load %arg5[%swap3A_276, %swap3A_277, %swap3A_278] : memref<64x256x128xf32, #tpu.memory_space<vmem>>, vector<1x256x128xf32>
    %swap3A_280 = vector.shape_cast %swap3A_279 : vector<1x256x128xf32> to vector<256x128xf32>
    %swap3A_281 = vector.shape_cast %slice3A_275 : vector<256x128xf32> to vector<1x256x128xf32>
    tpu.vector_store %arg5[%swap3A_276, %swap3A_277, %swap3A_278], %swap3A_281 {strides = array<i32>} : memref<64x256x128xf32, #tpu.memory_space<vmem>>, vector<1x256x128xf32>,
    %slice3A_282 = vector.extract_strided_slice %max3A_17 {offsets = [0, 4864], sizes = [256, 128], strides = [1, 1]} : vector<256x8192xf32> to vector<256x128xf32>
    %swap3A_283 = arith.constant 38 : index
    %swap3A_284 = arith.constant 0 : index
    %swap3A_285 = arith.constant 0 : index
    %swap3A_286 = vector.load %arg5[%swap3A_283, %swap3A_284, %swap3A_285] : memref<64x256x128xf32, #tpu.memory_space<vmem>>, vector<1x256x128xf32>
    %swap3A_287 = vector.shape_cast %swap3A_286 : vector<1x256x128xf32> to vector<256x128xf32>
    %swap3A_288 = vector.shape_cast %slice3A_282 : vector<256x128xf32> to vector<1x256x128xf32>
    tpu.vector_store %arg5[%swap3A_283, %swap3A_284, %swap3A_285], %swap3A_288 {strides = array<i32>} : memref<64x256x128xf32, #tpu.memory_space<vmem>>, vector<1x256x128xf32>,
    %slice3A_289 = vector.extract_strided_slice %max3A_17 {offsets = [0, 4992], sizes = [256, 128], strides = [1, 1]} : vector<256x8192xf32> to vector<256x128xf32>
    %swap3A_290 = arith.constant 39 : index
    %swap3A_291 = arith.constant 0 : index
    %swap3A_292 = arith.constant 0 : index
    %swap3A_293 = vector.load %arg5[%swap3A_290, %swap3A_291, %swap3A_292] : memref<64x256x128xf32, #tpu.memory_space<vmem>>, vector<1x256x128xf32>
    %swap3A_294 = vector.shape_cast %swap3A_293 : vector<1x256x128xf32> to vector<256x128xf32>
    %swap3A_295 = vector.shape_cast %slice3A_289 : vector<256x128xf32> to vector<1x256x128xf32>
    tpu.vector_store %arg5[%swap3A_290, %swap3A_291, %swap3A_292], %swap3A_295 {strides = array<i32>} : memref<64x256x128xf32, #tpu.memory_space<vmem>>, vector<1x256x128xf32>,
    %slice3A_296 = vector.extract_strided_slice %max3A_17 {offsets = [0, 5120], sizes = [256, 128], strides = [1, 1]} : vector<256x8192xf32> to vector<256x128xf32>
    %swap3A_297 = arith.constant 40 : index
    %swap3A_298 = arith.constant 0 : index
    %swap3A_299 = arith.constant 0 : index
    %swap3A_300 = vector.load %arg5[%swap3A_297, %swap3A_298, %swap3A_299] : memref<64x256x128xf32, #tpu.memory_space<vmem>>, vector<1x256x128xf32>
    %swap3A_301 = vector.shape_cast %swap3A_300 : vector<1x256x128xf32> to vector<256x128xf32>
    %swap3A_302 = vector.shape_cast %slice3A_296 : vector<256x128xf32> to vector<1x256x128xf32>
    tpu.vector_store %arg5[%swap3A_297, %swap3A_298, %swap3A_299], %swap3A_302 {strides = array<i32>} : memref<64x256x128xf32, #tpu.memory_space<vmem>>, vector<1x256x128xf32>,
    %slice3A_303 = vector.extract_strided_slice %max3A_17 {offsets = [0, 5248], sizes = [256, 128], strides = [1, 1]} : vector<256x8192xf32> to vector<256x128xf32>
    %swap3A_304 = arith.constant 41 : index
    %swap3A_305 = arith.constant 0 : index
    %swap3A_306 = arith.constant 0 : index
    %swap3A_307 = vector.load %arg5[%swap3A_304, %swap3A_305, %swap3A_306] : memref<64x256x128xf32, #tpu.memory_space<vmem>>, vector<1x256x128xf32>
    %swap3A_308 = vector.shape_cast %swap3A_307 : vector<1x256x128xf32> to vector<256x128xf32>
    %swap3A_309 = vector.shape_cast %slice3A_303 : vector<256x128xf32> to vector<1x256x128xf32>
    tpu.vector_store %arg5[%swap3A_304, %swap3A_305, %swap3A_306], %swap3A_309 {strides = array<i32>} : memref<64x256x128xf32, #tpu.memory_space<vmem>>, vector<1x256x128xf32>,
    %slice3A_310 = vector.extract_strided_slice %max3A_17 {offsets = [0, 5376], sizes = [256, 128], strides = [1, 1]} : vector<256x8192xf32> to vector<256x128xf32>
    %swap3A_311 = arith.constant 42 : index
    %swap3A_312 = arith.constant 0 : index
    %swap3A_313 = arith.constant 0 : index
    %swap3A_314 = vector.load %arg5[%swap3A_311, %swap3A_312, %swap3A_313] : memref<64x256x128xf32, #tpu.memory_space<vmem>>, vector<1x256x128xf32>
    %swap3A_315 = vector.shape_cast %swap3A_314 : vector<1x256x128xf32> to vector<256x128xf32>
    %swap3A_316 = vector.shape_cast %slice3A_310 : vector<256x128xf32> to vector<1x256x128xf32>
    tpu.vector_store %arg5[%swap3A_311, %swap3A_312, %swap3A_313], %swap3A_316 {strides = array<i32>} : memref<64x256x128xf32, #tpu.memory_space<vmem>>, vector<1x256x128xf32>,
    %slice3A_317 = vector.extract_strided_slice %max3A_17 {offsets = [0, 5504], sizes = [256, 128], strides = [1, 1]} : vector<256x8192xf32> to vector<256x128xf32>
    %swap3A_318 = arith.constant 43 : index
    %swap3A_319 = arith.constant 0 : index
    %swap3A_320 = arith.constant 0 : index
    %swap3A_321 = vector.load %arg5[%swap3A_318, %swap3A_319, %swap3A_320] : memref<64x256x128xf32, #tpu.memory_space<vmem>>, vector<1x256x128xf32>
    %swap3A_322 = vector.shape_cast %swap3A_321 : vector<1x256x128xf32> to vector<256x128xf32>
    %swap3A_323 = vector.shape_cast %slice3A_317 : vector<256x128xf32> to vector<1x256x128xf32>
    tpu.vector_store %arg5[%swap3A_318, %swap3A_319, %swap3A_320], %swap3A_323 {strides = array<i32>} : memref<64x256x128xf32, #tpu.memory_space<vmem>>, vector<1x256x128xf32>,
    %slice3A_324 = vector.extract_strided_slice %max3A_17 {offsets = [0, 5632], sizes = [256, 128], strides = [1, 1]} : vector<256x8192xf32> to vector<256x128xf32>
    %swap3A_325 = arith.constant 44 : index
    %swap3A_326 = arith.constant 0 : index
    %swap3A_327 = arith.constant 0 : index
    %swap3A_328 = vector.load %arg5[%swap3A_325, %swap3A_326, %swap3A_327] : memref<64x256x128xf32, #tpu.memory_space<vmem>>, vector<1x256x128xf32>
    %swap3A_329 = vector.shape_cast %swap3A_328 : vector<1x256x128xf32> to vector<256x128xf32>
    %swap3A_330 = vector.shape_cast %slice3A_324 : vector<256x128xf32> to vector<1x256x128xf32>
    tpu.vector_store %arg5[%swap3A_325, %swap3A_326, %swap3A_327], %swap3A_330 {strides = array<i32>} : memref<64x256x128xf32, #tpu.memory_space<vmem>>, vector<1x256x128xf32>,
    %slice3A_331 = vector.extract_strided_slice %max3A_17 {offsets = [0, 5760], sizes = [256, 128], strides = [1, 1]} : vector<256x8192xf32> to vector<256x128xf32>
    %swap3A_332 = arith.constant 45 : index
    %swap3A_333 = arith.constant 0 : index
    %swap3A_334 = arith.constant 0 : index
    %swap3A_335 = vector.load %arg5[%swap3A_332, %swap3A_333, %swap3A_334] : memref<64x256x128xf32, #tpu.memory_space<vmem>>, vector<1x256x128xf32>
    %swap3A_336 = vector.shape_cast %swap3A_335 : vector<1x256x128xf32> to vector<256x128xf32>
    %swap3A_337 = vector.shape_cast %slice3A_331 : vector<256x128xf32> to vector<1x256x128xf32>
    tpu.vector_store %arg5[%swap3A_332, %swap3A_333, %swap3A_334], %swap3A_337 {strides = array<i32>} : memref<64x256x128xf32, #tpu.memory_space<vmem>>, vector<1x256x128xf32>,
    %slice3A_338 = vector.extract_strided_slice %max3A_17 {offsets = [0, 5888], sizes = [256, 128], strides = [1, 1]} : vector<256x8192xf32> to vector<256x128xf32>
    %swap3A_339 = arith.constant 46 : index
    %swap3A_340 = arith.constant 0 : index
    %swap3A_341 = arith.constant 0 : index
    %swap3A_342 = vector.load %arg5[%swap3A_339, %swap3A_340, %swap3A_341] : memref<64x256x128xf32, #tpu.memory_space<vmem>>, vector<1x256x128xf32>
    %swap3A_343 = vector.shape_cast %swap3A_342 : vector<1x256x128xf32> to vector<256x128xf32>
    %swap3A_344 = vector.shape_cast %slice3A_338 : vector<256x128xf32> to vector<1x256x128xf32>
    tpu.vector_store %arg5[%swap3A_339, %swap3A_340, %swap3A_341], %swap3A_344 {strides = array<i32>} : memref<64x256x128xf32, #tpu.memory_space<vmem>>, vector<1x256x128xf32>,
    %slice3A_345 = vector.extract_strided_slice %max3A_17 {offsets = [0, 6016], sizes = [256, 128], strides = [1, 1]} : vector<256x8192xf32> to vector<256x128xf32>
    %swap3A_346 = arith.constant 47 : index
    %swap3A_347 = arith.constant 0 : index
    %swap3A_348 = arith.constant 0 : index
    %swap3A_349 = vector.load %arg5[%swap3A_346, %swap3A_347, %swap3A_348] : memref<64x256x128xf32, #tpu.memory_space<vmem>>, vector<1x256x128xf32>
    %swap3A_350 = vector.shape_cast %swap3A_349 : vector<1x256x128xf32> to vector<256x128xf32>
    %swap3A_351 = vector.shape_cast %slice3A_345 : vector<256x128xf32> to vector<1x256x128xf32>
    tpu.vector_store %arg5[%swap3A_346, %swap3A_347, %swap3A_348], %swap3A_351 {strides = array<i32>} : memref<64x256x128xf32, #tpu.memory_space<vmem>>, vector<1x256x128xf32>,
    %slice3A_352 = vector.extract_strided_slice %max3A_17 {offsets = [0, 6144], sizes = [256, 128], strides = [1, 1]} : vector<256x8192xf32> to vector<256x128xf32>
    %swap3A_353 = arith.constant 48 : index
    %swap3A_354 = arith.constant 0 : index
    %swap3A_355 = arith.constant 0 : index
    %swap3A_356 = vector.load %arg5[%swap3A_353, %swap3A_354, %swap3A_355] : memref<64x256x128xf32, #tpu.memory_space<vmem>>, vector<1x256x128xf32>
    %swap3A_357 = vector.shape_cast %swap3A_356 : vector<1x256x128xf32> to vector<256x128xf32>
    %swap3A_358 = vector.shape_cast %slice3A_352 : vector<256x128xf32> to vector<1x256x128xf32>
    tpu.vector_store %arg5[%swap3A_353, %swap3A_354, %swap3A_355], %swap3A_358 {strides = array<i32>} : memref<64x256x128xf32, #tpu.memory_space<vmem>>, vector<1x256x128xf32>,
    %slice3A_359 = vector.extract_strided_slice %max3A_17 {offsets = [0, 6272], sizes = [256, 128], strides = [1, 1]} : vector<256x8192xf32> to vector<256x128xf32>
    %swap3A_360 = arith.constant 49 : index
    %swap3A_361 = arith.constant 0 : index
    %swap3A_362 = arith.constant 0 : index
    %swap3A_363 = vector.load %arg5[%swap3A_360, %swap3A_361, %swap3A_362] : memref<64x256x128xf32, #tpu.memory_space<vmem>>, vector<1x256x128xf32>
    %swap3A_364 = vector.shape_cast %swap3A_363 : vector<1x256x128xf32> to vector<256x128xf32>
    %swap3A_365 = vector.shape_cast %slice3A_359 : vector<256x128xf32> to vector<1x256x128xf32>
    tpu.vector_store %arg5[%swap3A_360, %swap3A_361, %swap3A_362], %swap3A_365 {strides = array<i32>} : memref<64x256x128xf32, #tpu.memory_space<vmem>>, vector<1x256x128xf32>,
    %slice3A_366 = vector.extract_strided_slice %max3A_17 {offsets = [0, 6400], sizes = [256, 128], strides = [1, 1]} : vector<256x8192xf32> to vector<256x128xf32>
    %swap3A_367 = arith.constant 50 : index
    %swap3A_368 = arith.constant 0 : index
    %swap3A_369 = arith.constant 0 : index
    %swap3A_370 = vector.load %arg5[%swap3A_367, %swap3A_368, %swap3A_369] : memref<64x256x128xf32, #tpu.memory_space<vmem>>, vector<1x256x128xf32>
    %swap3A_371 = vector.shape_cast %swap3A_370 : vector<1x256x128xf32> to vector<256x128xf32>
    %swap3A_372 = vector.shape_cast %slice3A_366 : vector<256x128xf32> to vector<1x256x128xf32>
    tpu.vector_store %arg5[%swap3A_367, %swap3A_368, %swap3A_369], %swap3A_372 {strides = array<i32>} : memref<64x256x128xf32, #tpu.memory_space<vmem>>, vector<1x256x128xf32>,
    %slice3A_373 = vector.extract_strided_slice %max3A_17 {offsets = [0, 6528], sizes = [256, 128], strides = [1, 1]} : vector<256x8192xf32> to vector<256x128xf32>
    %swap3A_374 = arith.constant 51 : index
    %swap3A_375 = arith.constant 0 : index
    %swap3A_376 = arith.constant 0 : index
    %swap3A_377 = vector.load %arg5[%swap3A_374, %swap3A_375, %swap3A_376] : memref<64x256x128xf32, #tpu.memory_space<vmem>>, vector<1x256x128xf32>
    %swap3A_378 = vector.shape_cast %swap3A_377 : vector<1x256x128xf32> to vector<256x128xf32>
    %swap3A_379 = vector.shape_cast %slice3A_373 : vector<256x128xf32> to vector<1x256x128xf32>
    tpu.vector_store %arg5[%swap3A_374, %swap3A_375, %swap3A_376], %swap3A_379 {strides = array<i32>} : memref<64x256x128xf32, #tpu.memory_space<vmem>>, vector<1x256x128xf32>,
    %slice3A_380 = vector.extract_strided_slice %max3A_17 {offsets = [0, 6656], sizes = [256, 128], strides = [1, 1]} : vector<256x8192xf32> to vector<256x128xf32>
    %swap3A_381 = arith.constant 52 : index
    %swap3A_382 = arith.constant 0 : index
    %swap3A_383 = arith.constant 0 : index
    %swap3A_384 = vector.load %arg5[%swap3A_381, %swap3A_382, %swap3A_383] : memref<64x256x128xf32, #tpu.memory_space<vmem>>, vector<1x256x128xf32>
    %swap3A_385 = vector.shape_cast %swap3A_384 : vector<1x256x128xf32> to vector<256x128xf32>
    %swap3A_386 = vector.shape_cast %slice3A_380 : vector<256x128xf32> to vector<1x256x128xf32>
    tpu.vector_store %arg5[%swap3A_381, %swap3A_382, %swap3A_383], %swap3A_386 {strides = array<i32>} : memref<64x256x128xf32, #tpu.memory_space<vmem>>, vector<1x256x128xf32>,
    %slice3A_387 = vector.extract_strided_slice %max3A_17 {offsets = [0, 6784], sizes = [256, 128], strides = [1, 1]} : vector<256x8192xf32> to vector<256x128xf32>
    %swap3A_388 = arith.constant 53 : index
    %swap3A_389 = arith.constant 0 : index
    %swap3A_390 = arith.constant 0 : index
    %swap3A_391 = vector.load %arg5[%swap3A_388, %swap3A_389, %swap3A_390] : memref<64x256x128xf32, #tpu.memory_space<vmem>>, vector<1x256x128xf32>
    %swap3A_392 = vector.shape_cast %swap3A_391 : vector<1x256x128xf32> to vector<256x128xf32>
    %swap3A_393 = vector.shape_cast %slice3A_387 : vector<256x128xf32> to vector<1x256x128xf32>
    tpu.vector_store %arg5[%swap3A_388, %swap3A_389, %swap3A_390], %swap3A_393 {strides = array<i32>} : memref<64x256x128xf32, #tpu.memory_space<vmem>>, vector<1x256x128xf32>,
    %slice3A_394 = vector.extract_strided_slice %max3A_17 {offsets = [0, 6912], sizes = [256, 128], strides = [1, 1]} : vector<256x8192xf32> to vector<256x128xf32>
    %swap3A_395 = arith.constant 54 : index
    %swap3A_396 = arith.constant 0 : index
    %swap3A_397 = arith.constant 0 : index
    %swap3A_398 = vector.load %arg5[%swap3A_395, %swap3A_396, %swap3A_397] : memref<64x256x128xf32, #tpu.memory_space<vmem>>, vector<1x256x128xf32>
    %swap3A_399 = vector.shape_cast %swap3A_398 : vector<1x256x128xf32> to vector<256x128xf32>
    %swap3A_400 = vector.shape_cast %slice3A_394 : vector<256x128xf32> to vector<1x256x128xf32>
    tpu.vector_store %arg5[%swap3A_395, %swap3A_396, %swap3A_397], %swap3A_400 {strides = array<i32>} : memref<64x256x128xf32, #tpu.memory_space<vmem>>, vector<1x256x128xf32>,
    %slice3A_401 = vector.extract_strided_slice %max3A_17 {offsets = [0, 7040], sizes = [256, 128], strides = [1, 1]} : vector<256x8192xf32> to vector<256x128xf32>
    %swap3A_402 = arith.constant 55 : index
    %swap3A_403 = arith.constant 0 : index
    %swap3A_404 = arith.constant 0 : index
    %swap3A_405 = vector.load %arg5[%swap3A_402, %swap3A_403, %swap3A_404] : memref<64x256x128xf32, #tpu.memory_space<vmem>>, vector<1x256x128xf32>
    %swap3A_406 = vector.shape_cast %swap3A_405 : vector<1x256x128xf32> to vector<256x128xf32>
    %swap3A_407 = vector.shape_cast %slice3A_401 : vector<256x128xf32> to vector<1x256x128xf32>
    tpu.vector_store %arg5[%swap3A_402, %swap3A_403, %swap3A_404], %swap3A_407 {strides = array<i32>} : memref<64x256x128xf32, #tpu.memory_space<vmem>>, vector<1x256x128xf32>,
    %slice3A_408 = vector.extract_strided_slice %max3A_17 {offsets = [0, 7168], sizes = [256, 128], strides = [1, 1]} : vector<256x8192xf32> to vector<256x128xf32>
    %swap3A_409 = arith.constant 56 : index
    %swap3A_410 = arith.constant 0 : index
    %swap3A_411 = arith.constant 0 : index
    %swap3A_412 = vector.load %arg5[%swap3A_409, %swap3A_410, %swap3A_411] : memref<64x256x128xf32, #tpu.memory_space<vmem>>, vector<1x256x128xf32>
    %swap3A_413 = vector.shape_cast %swap3A_412 : vector<1x256x128xf32> to vector<256x128xf32>
    %swap3A_414 = vector.shape_cast %slice3A_408 : vector<256x128xf32> to vector<1x256x128xf32>
    tpu.vector_store %arg5[%swap3A_409, %swap3A_410, %swap3A_411], %swap3A_414 {strides = array<i32>} : memref<64x256x128xf32, #tpu.memory_space<vmem>>, vector<1x256x128xf32>,
    %slice3A_415 = vector.extract_strided_slice %max3A_17 {offsets = [0, 7296], sizes = [256, 128], strides = [1, 1]} : vector<256x8192xf32> to vector<256x128xf32>
    %swap3A_416 = arith.constant 57 : index
    %swap3A_417 = arith.constant 0 : index
    %swap3A_418 = arith.constant 0 : index
    %swap3A_419 = vector.load %arg5[%swap3A_416, %swap3A_417, %swap3A_418] : memref<64x256x128xf32, #tpu.memory_space<vmem>>, vector<1x256x128xf32>
    %swap3A_420 = vector.shape_cast %swap3A_419 : vector<1x256x128xf32> to vector<256x128xf32>
    %swap3A_421 = vector.shape_cast %slice3A_415 : vector<256x128xf32> to vector<1x256x128xf32>
    tpu.vector_store %arg5[%swap3A_416, %swap3A_417, %swap3A_418], %swap3A_421 {strides = array<i32>} : memref<64x256x128xf32, #tpu.memory_space<vmem>>, vector<1x256x128xf32>,
    %slice3A_422 = vector.extract_strided_slice %max3A_17 {offsets = [0, 7424], sizes = [256, 128], strides = [1, 1]} : vector<256x8192xf32> to vector<256x128xf32>
    %swap3A_423 = arith.constant 58 : index
    %swap3A_424 = arith.constant 0 : index
    %swap3A_425 = arith.constant 0 : index
    %swap3A_426 = vector.load %arg5[%swap3A_423, %swap3A_424, %swap3A_425] : memref<64x256x128xf32, #tpu.memory_space<vmem>>, vector<1x256x128xf32>
    %swap3A_427 = vector.shape_cast %swap3A_426 : vector<1x256x128xf32> to vector<256x128xf32>
    %swap3A_428 = vector.shape_cast %slice3A_422 : vector<256x128xf32> to vector<1x256x128xf32>
    tpu.vector_store %arg5[%swap3A_423, %swap3A_424, %swap3A_425], %swap3A_428 {strides = array<i32>} : memref<64x256x128xf32, #tpu.memory_space<vmem>>, vector<1x256x128xf32>,
    %slice3A_429 = vector.extract_strided_slice %max3A_17 {offsets = [0, 7552], sizes = [256, 128], strides = [1, 1]} : vector<256x8192xf32> to vector<256x128xf32>
    %swap3A_430 = arith.constant 59 : index
    %swap3A_431 = arith.constant 0 : index
    %swap3A_432 = arith.constant 0 : index
    %swap3A_433 = vector.load %arg5[%swap3A_430, %swap3A_431, %swap3A_432] : memref<64x256x128xf32, #tpu.memory_space<vmem>>, vector<1x256x128xf32>
    %swap3A_434 = vector.shape_cast %swap3A_433 : vector<1x256x128xf32> to vector<256x128xf32>
    %swap3A_435 = vector.shape_cast %slice3A_429 : vector<256x128xf32> to vector<1x256x128xf32>
    tpu.vector_store %arg5[%swap3A_430, %swap3A_431, %swap3A_432], %swap3A_435 {strides = array<i32>} : memref<64x256x128xf32, #tpu.memory_space<vmem>>, vector<1x256x128xf32>,
    %slice3A_436 = vector.extract_strided_slice %max3A_17 {offsets = [0, 7680], sizes = [256, 128], strides = [1, 1]} : vector<256x8192xf32> to vector<256x128xf32>
    %swap3A_437 = arith.constant 60 : index
    %swap3A_438 = arith.constant 0 : index
    %swap3A_439 = arith.constant 0 : index
    %swap3A_440 = vector.load %arg5[%swap3A_437, %swap3A_438, %swap3A_439] : memref<64x256x128xf32, #tpu.memory_space<vmem>>, vector<1x256x128xf32>
    %swap3A_441 = vector.shape_cast %swap3A_440 : vector<1x256x128xf32> to vector<256x128xf32>
    %swap3A_442 = vector.shape_cast %slice3A_436 : vector<256x128xf32> to vector<1x256x128xf32>
    tpu.vector_store %arg5[%swap3A_437, %swap3A_438, %swap3A_439], %swap3A_442 {strides = array<i32>} : memref<64x256x128xf32, #tpu.memory_space<vmem>>, vector<1x256x128xf32>,
    %slice3A_443 = vector.extract_strided_slice %max3A_17 {offsets = [0, 7808], sizes = [256, 128], strides = [1, 1]} : vector<256x8192xf32> to vector<256x128xf32>
    %swap3A_444 = arith.constant 61 : index
    %swap3A_445 = arith.constant 0 : index
    %swap3A_446 = arith.constant 0 : index
    %swap3A_447 = vector.load %arg5[%swap3A_444, %swap3A_445, %swap3A_446] : memref<64x256x128xf32, #tpu.memory_space<vmem>>, vector<1x256x128xf32>
    %swap3A_448 = vector.shape_cast %swap3A_447 : vector<1x256x128xf32> to vector<256x128xf32>
    %swap3A_449 = vector.shape_cast %slice3A_443 : vector<256x128xf32> to vector<1x256x128xf32>
    tpu.vector_store %arg5[%swap3A_444, %swap3A_445, %swap3A_446], %swap3A_449 {strides = array<i32>} : memref<64x256x128xf32, #tpu.memory_space<vmem>>, vector<1x256x128xf32>,
    %slice3A_450 = vector.extract_strided_slice %max3A_17 {offsets = [0, 7936], sizes = [256, 128], strides = [1, 1]} : vector<256x8192xf32> to vector<256x128xf32>
    %swap3A_451 = arith.constant 62 : index
    %swap3A_452 = arith.constant 0 : index
    %swap3A_453 = arith.constant 0 : index
    %swap3A_454 = vector.load %arg5[%swap3A_451, %swap3A_452, %swap3A_453] : memref<64x256x128xf32, #tpu.memory_space<vmem>>, vector<1x256x128xf32>
    %swap3A_455 = vector.shape_cast %swap3A_454 : vector<1x256x128xf32> to vector<256x128xf32>
    %swap3A_456 = vector.shape_cast %slice3A_450 : vector<256x128xf32> to vector<1x256x128xf32>
    tpu.vector_store %arg5[%swap3A_451, %swap3A_452, %swap3A_453], %swap3A_456 {strides = array<i32>} : memref<64x256x128xf32, #tpu.memory_space<vmem>>, vector<1x256x128xf32>,
    %slice3A_457 = vector.extract_strided_slice %max3A_17 {offsets = [0, 8064], sizes = [256, 128], strides = [1, 1]} : vector<256x8192xf32> to vector<256x128xf32>
    %swap3A_458 = arith.constant 63 : index
    %swap3A_459 = arith.constant 0 : index
    %swap3A_460 = arith.constant 0 : index
    %swap3A_461 = vector.load %arg5[%swap3A_458, %swap3A_459, %swap3A_460] : memref<64x256x128xf32, #tpu.memory_space<vmem>>, vector<1x256x128xf32>
    %swap3A_462 = vector.shape_cast %swap3A_461 : vector<1x256x128xf32> to vector<256x128xf32>
    %swap3A_463 = vector.shape_cast %slice3A_457 : vector<256x128xf32> to vector<1x256x128xf32>
    tpu.vector_store %arg5[%swap3A_458, %swap3A_459, %swap3A_460], %swap3A_463 {strides = array<i32>} : memref<64x256x128xf32, #tpu.memory_space<vmem>>, vector<1x256x128xf32>,
    %transpose3A = tpu.transpose %max3A_17, [1, 0] : vector<256x8192xf32> -> vector<8192x256xf32>
    %reshape3A = vector.shape_cast %transpose3A : vector<8192x256xf32> to vector<256x32x256xf32>
    %reduce_min3A = arith.constant dense<0x7F800000> : vector<256x256xf32>
    %reduce_min3A_464 = vector.multi_reduction <minimumf>, %reshape3A, %reduce_min3A [1] : vector<256x32x256xf32> to vector<256x256xf32>
    %iota3A = tpu.iota {dimensions = array<i32: 0>} : vector<256x256xi32>
    %iota3A_465 = tpu.iota {dimensions = array<i32: 0>} : vector<20x256xi32>
    %broadcast_in_dim3A = arith.constant 0 : i32
    %broadcast_in_dim3A_466 = vector.broadcast %broadcast_in_dim3A : i32 to vector<20x256xi32>
    %scan3A = arith.constant 0 : i32
    %scan3A_467 = arith.constant 20 : i32
    %scan3A_468 = arith.addi %scan3A, %scan3A_467 : i32
    %scan3A_469 = arith.constant 1 : i32
    %scan3A_470:2 = scf.for %scan3A_476 = %scan3A to %scan3A_468 step %scan3A_469 iter_args(%scan3A_477 = %reduce_min3A_464, %scan3A_478 = %broadcast_in_dim3A_466) -> (vector<256x256xf32>, vector<20x256xi32>)  : i32 {
      %reduce_min3A_479 = arith.constant dense<0x7F800000> : vector<256xf32>
      %reduce_min3A_480 = vector.multi_reduction <minimumf>, %scan3A_477, %reduce_min3A_479 [0] : vector<256x256xf32> to vector<256xf32>
      %broadcast_in_dim3A_481 = vector.shape_cast %reduce_min3A_480 : vector<256xf32> to vector<1x256xf32>
      %eq3A = vector.broadcast %broadcast_in_dim3A_481 : vector<1x256xf32> to vector<256x256xf32>
      %eq3A_482 = arith.cmpf oeq, %scan3A_477, %eq3A : vector<256x256xf32>
      %jit3A = arith.constant 256 : i32
      %broadcast_in_dim3A_483 = vector.broadcast %jit3A : i32 to vector<256x256xi32>
      %select_n3A = arith.select %eq3A_482, %iota3A, %broadcast_in_dim3A_483 : vector<256x256xi1>, vector<256x256xi32>
      %reduce_min3A_484 = arith.constant dense<2147483647> : vector<256xi32>
      %reduce_min3A_485 = vector.multi_reduction <minsi>, %select_n3A, %reduce_min3A_484 [0] : vector<256x256xi32> to vector<256xi32>
      %broadcast_in_dim3A_486 = vector.shape_cast %reduce_min3A_485 : vector<256xi32> to vector<1x256xi32>
      %eq3A_487 = vector.broadcast %scan3A_476 : i32 to vector<20x256xi32>
      %eq3A_488 = arith.cmpi eq, %iota3A_465, %eq3A_487 : vector<20x256xi32>
      %broadcast_in_dim3A_489 = vector.shape_cast %broadcast_in_dim3A_486 : vector<1x256xi32> to vector<1x256xi32>
      %broadcast_in_dim3A_490 = vector.broadcast %broadcast_in_dim3A_489 : vector<1x256xi32> to vector<20x256xi32>
      %select_n3A_491 = arith.select %eq3A_488, %broadcast_in_dim3A_490, %scan3A_478 : vector<20x256xi1>, vector<20x256xi32>
      %eq3A_492 = vector.broadcast %broadcast_in_dim3A_486 : vector<1x256xi32> to vector<256x256xi32>
      %eq3A_493 = arith.cmpi eq, %iota3A, %eq3A_492 : vector<256x256xi32>
      %jit3A_494 = arith.constant 0x7F800000 : f32
      %broadcast_in_dim3A_495 = vector.broadcast %jit3A_494 : f32 to vector<256x256xf32>
      %select_n3A_496 = arith.select %eq3A_493, %broadcast_in_dim3A_495, %scan3A_477 : vector<256x256xi1>, vector<256x256xf32>
      scf.yield %select_n3A_496, %select_n3A_491 : vector<256x256xf32>, vector<20x256xi32>
    }
    %scan3A_471 = arith.constant 20 : i32
    %transpose3A_472 = tpu.transpose %scan3A_470#1, [1, 0] : vector<20x256xi32> -> vector<256x20xi32>
    %swap3A_473 = arith.constant 0 : index
    %swap3A_474 = arith.constant 0 : index
    %swap3A_475 = vector.load %arg6[%swap3A_473, %swap3A_474] : memref<256x20xi32, #tpu.memory_space<vmem>>, vector<256x20xi32>
    tpu.vector_store %arg6[%swap3A_473, %swap3A_474], %transpose3A_472 {strides = array<i32>} : memref<256x20xi32, #tpu.memory_space<vmem>>, vector<256x20xi32>,
    return
  }
  func.func @transform_0(%arg0: i32) -> (i32, i32) {
    %c0_i32 = arith.constant 0 : i32
    %c0_i32_0 = arith.constant 0 : i32
    %c0_i32_1 = arith.constant 0 : i32
    return %c0_i32, %c0_i32_0 : i32, i32
  }
  func.func @transform_1(%arg0: i32) -> (i32, i32) {
    %c0_i32 = arith.constant 0 : i32
    %c0_i32_0 = arith.constant 0 : i32
    return %arg0, %c0_i32 : i32, i32
  }
  func.func @transform_2(%arg0: i32) -> (i32, i32) {
    %c0_i32 = arith.constant 0 : i32
    %c0_i32_0 = arith.constant 0 : i32
    %c0_i32_1 = arith.constant 0 : i32
    return %c0_i32, %c0_i32_0 : i32, i32
  }
  func.func @transform_3(%arg0: i32) -> (i32, i32) {
    %add3A = arith.constant 0 : i32
    %add3A_0 = arith.addi %arg0, %add3A : i32
    %c0_i32 = arith.constant 0 : i32
    %c0_i32_1 = arith.constant 0 : i32
    return %c0_i32, %add3A_0 : i32, i32
  }
  func.func @transform_4(%arg0: i32) -> (i32, i32, i32) {
    %c0_i32 = arith.constant 0 : i32
    %c0_i32_0 = arith.constant 0 : i32
    %c0_i32_1 = arith.constant 0 : i32
    return %c0_i32, %arg0, %c0_i32_0 : i32, i32, i32
  }
  func.func @transform_5(%arg0: i32) -> (i32, i32) {
    %c0_i32 = arith.constant 0 : i32
    %c0_i32_0 = arith.constant 0 : i32
    return %arg0, %c0_i32 : i32, i32
  }
}

module attributes {stable_mosaic.version = 14 : i64} {
  func.func @_dist_blocks_body(%arg0: i32, %arg1: memref<1x8192xf32, #tpu.memory_space<vmem>>, %arg2: memref<256x1xf32, #tpu.memory_space<vmem>>, %arg3: memref<256x8192xf32, #tpu.memory_space<vmem>>, %arg4: memref<256x256xf32, #tpu.memory_space<vmem>>, %arg5: memref<64x256x128xf32, #tpu.memory_space<vmem>>, %arg6: memref<256x20xi32, #tpu.memory_space<vmem>>) attributes {dimension_semantics = [#tpu.dimension_semantics<arbitrary>], iteration_bounds = array<i64: 16>, scalar_prefetch = 0 : i64, scratch_operands = 0 : i64, tpu.core_type = #tpu.core_type<tc>, window_params = [{pipeline_mode = #tpu.pipeline_mode<synchronous>, transform_indices = @transform_0, window_bounds = array<i64: 1, 8192>}, {transform_indices = @transform_1, window_bounds = array<i64: 256, 1>}, {pipeline_mode = #tpu.pipeline_mode<synchronous>, transform_indices = @transform_2, window_bounds = array<i64: 256, 8192>}, {transform_indices = @transform_3, window_bounds = array<i64: 256, 256>}, {transform_indices = @transform_4, window_bounds = array<i64: 64, 256, 128>}, {transform_indices = @transform_5, window_bounds = array<i64: 256, 20>}]} {
    %get3A = arith.constant 0 : index
    %get3A_0 = arith.constant 0 : index
    %get3A_1 = vector.load %arg4[%get3A, %get3A_0] : memref<256x256xf32, #tpu.memory_space<vmem>>, vector<256x256xf32>
    %get3A_2 = arith.constant 0 : index
    %get3A_3 = arith.constant 0 : index
    %get3A_4 = vector.load %arg3[%get3A_2, %get3A_3] : memref<256x8192xf32, #tpu.memory_space<vmem>>, vector<256x8192xf32>
    %dot_general3A = arith.constant dense<0.000000e+00> : vector<256x8192xf32>
    %dot_general3A_5 = tpu.matmul %get3A_1, %get3A_4, %dot_general3A {dimension_numbers = #tpu.dot_dimension_numbers<[0], [0], [1], [1], [0, 1, 1, 1], [], []>, transpose_lhs_hint = false} : vector<256x256xf32>, vector<256x8192xf32>, vector<256x8192xf32> -> vector<256x8192xf32>
    %get3A_6 = arith.constant 0 : index
    %get3A_7 = arith.constant 0 : index
    %get3A_8 = vector.load %arg1[%get3A_6, %get3A_7] : memref<1x8192xf32, #tpu.memory_space<vmem>>, vector<1x8192xf32>
    %get3A_9 = arith.constant 0 : index
    %get3A_10 = arith.constant 0 : index
    %get3A_11 = vector.load %arg2[%get3A_9, %get3A_10] : memref<256x1xf32, #tpu.memory_space<vmem>>, vector<256x1xf32>
    %add3A = vector.broadcast %get3A_8 : vector<1x8192xf32> to vector<256x8192xf32>
    %add3A_12 = vector.broadcast %get3A_11 : vector<256x1xf32> to vector<256x8192xf32>
    %add3A_13 = arith.addf %add3A, %add3A_12 : vector<256x8192xf32>
    %mul3A = arith.constant 2.000000e+00 : f32
    %mul3A_14 = vector.broadcast %mul3A : f32 to vector<256x8192xf32>
    %mul3A_15 = arith.mulf %mul3A_14, %dot_general3A_5 : vector<256x8192xf32>
    %sub3A = arith.subf %add3A_13, %mul3A_15 : vector<256x8192xf32>
    %max3A = arith.constant 0.000000e+00 : f32
    %max3A_16 = vector.broadcast %max3A : f32 to vector<256x8192xf32>
    %max3A_17 = arith.maximumf %sub3A, %max3A_16 : vector<256x8192xf32>
    %slice3A = vector.extract_strided_slice %max3A_17 {offsets = [0, 0], sizes = [256, 128], strides = [1, 1]} : vector<256x8192xf32> to vector<256x128xf32>
    %swap3A = arith.constant 0 : index
    %swap3A_18 = arith.constant 0 : index
    %swap3A_19 = arith.constant 0 : index
    %swap3A_20 = vector.load %arg5[%swap3A, %swap3A_18, %swap3A_19] : memref<64x256x128xf32, #tpu.memory_space<vmem>>, vector<1x256x128xf32>
    %swap3A_21 = vector.shape_cast %swap3A_20 : vector<1x256x128xf32> to vector<256x128xf32>
    %swap3A_22 = vector.shape_cast %slice3A : vector<256x128xf32> to vector<1x256x128xf32>
    tpu.vector_store %arg5[%swap3A, %swap3A_18, %swap3A_19], %swap3A_22 {strides = array<i32>} : memref<64x256x128xf32, #tpu.memory_space<vmem>>, vector<1x256x128xf32>,
    %slice3A_23 = vector.extract_strided_slice %max3A_17 {offsets = [0, 128], sizes = [256, 128], strides = [1, 1]} : vector<256x8192xf32> to vector<256x128xf32>
    %swap3A_24 = arith.constant 1 : index
    %swap3A_25 = arith.constant 0 : index
    %swap3A_26 = arith.constant 0 : index
    %swap3A_27 = vector.load %arg5[%swap3A_24, %swap3A_25, %swap3A_26] : memref<64x256x128xf32, #tpu.memory_space<vmem>>, vector<1x256x128xf32>
    %swap3A_28 = vector.shape_cast %swap3A_27 : vector<1x256x128xf32> to vector<256x128xf32>
    %swap3A_29 = vector.shape_cast %slice3A_23 : vector<256x128xf32> to vector<1x256x128xf32>
    tpu.vector_store %arg5[%swap3A_24, %swap3A_25, %swap3A_26], %swap3A_29 {strides = array<i32>} : memref<64x256x128xf32, #tpu.memory_space<vmem>>, vector<1x256x128xf32>,
    %slice3A_30 = vector.extract_strided_slice %max3A_17 {offsets = [0, 256], sizes = [256, 128], strides = [1, 1]} : vector<256x8192xf32> to vector<256x128xf32>
    %swap3A_31 = arith.constant 2 : index
    %swap3A_32 = arith.constant 0 : index
    %swap3A_33 = arith.constant 0 : index
    %swap3A_34 = vector.load %arg5[%swap3A_31, %swap3A_32, %swap3A_33] : memref<64x256x128xf32, #tpu.memory_space<vmem>>, vector<1x256x128xf32>
    %swap3A_35 = vector.shape_cast %swap3A_34 : vector<1x256x128xf32> to vector<256x128xf32>
    %swap3A_36 = vector.shape_cast %slice3A_30 : vector<256x128xf32> to vector<1x256x128xf32>
    tpu.vector_store %arg5[%swap3A_31, %swap3A_32, %swap3A_33], %swap3A_36 {strides = array<i32>} : memref<64x256x128xf32, #tpu.memory_space<vmem>>, vector<1x256x128xf32>,
    %slice3A_37 = vector.extract_strided_slice %max3A_17 {offsets = [0, 384], sizes = [256, 128], strides = [1, 1]} : vector<256x8192xf32> to vector<256x128xf32>
    %swap3A_38 = arith.constant 3 : index
    %swap3A_39 = arith.constant 0 : index
    %swap3A_40 = arith.constant 0 : index
    %swap3A_41 = vector.load %arg5[%swap3A_38, %swap3A_39, %swap3A_40] : memref<64x256x128xf32, #tpu.memory_space<vmem>>, vector<1x256x128xf32>
    %swap3A_42 = vector.shape_cast %swap3A_41 : vector<1x256x128xf32> to vector<256x128xf32>
    %swap3A_43 = vector.shape_cast %slice3A_37 : vector<256x128xf32> to vector<1x256x128xf32>
    tpu.vector_store %arg5[%swap3A_38, %swap3A_39, %swap3A_40], %swap3A_43 {strides = array<i32>} : memref<64x256x128xf32, #tpu.memory_space<vmem>>, vector<1x256x128xf32>,
    %slice3A_44 = vector.extract_strided_slice %max3A_17 {offsets = [0, 512], sizes = [256, 128], strides = [1, 1]} : vector<256x8192xf32> to vector<256x128xf32>
    %swap3A_45 = arith.constant 4 : index
    %swap3A_46 = arith.constant 0 : index
    %swap3A_47 = arith.constant 0 : index
    %swap3A_48 = vector.load %arg5[%swap3A_45, %swap3A_46, %swap3A_47] : memref<64x256x128xf32, #tpu.memory_space<vmem>>, vector<1x256x128xf32>
    %swap3A_49 = vector.shape_cast %swap3A_48 : vector<1x256x128xf32> to vector<256x128xf32>
    %swap3A_50 = vector.shape_cast %slice3A_44 : vector<256x128xf32> to vector<1x256x128xf32>
    tpu.vector_store %arg5[%swap3A_45, %swap3A_46, %swap3A_47], %swap3A_50 {strides = array<i32>} : memref<64x256x128xf32, #tpu.memory_space<vmem>>, vector<1x256x128xf32>,
    %slice3A_51 = vector.extract_strided_slice %max3A_17 {offsets = [0, 640], sizes = [256, 128], strides = [1, 1]} : vector<256x8192xf32> to vector<256x128xf32>
    %swap3A_52 = arith.constant 5 : index
    %swap3A_53 = arith.constant 0 : index
    %swap3A_54 = arith.constant 0 : index
    %swap3A_55 = vector.load %arg5[%swap3A_52, %swap3A_53, %swap3A_54] : memref<64x256x128xf32, #tpu.memory_space<vmem>>, vector<1x256x128xf32>
    %swap3A_56 = vector.shape_cast %swap3A_55 : vector<1x256x128xf32> to vector<256x128xf32>
    %swap3A_57 = vector.shape_cast %slice3A_51 : vector<256x128xf32> to vector<1x256x128xf32>
    tpu.vector_store %arg5[%swap3A_52, %swap3A_53, %swap3A_54], %swap3A_57 {strides = array<i32>} : memref<64x256x128xf32, #tpu.memory_space<vmem>>, vector<1x256x128xf32>,
    %slice3A_58 = vector.extract_strided_slice %max3A_17 {offsets = [0, 768], sizes = [256, 128], strides = [1, 1]} : vector<256x8192xf32> to vector<256x128xf32>
    %swap3A_59 = arith.constant 6 : index
    %swap3A_60 = arith.constant 0 : index
    %swap3A_61 = arith.constant 0 : index
    %swap3A_62 = vector.load %arg5[%swap3A_59, %swap3A_60, %swap3A_61] : memref<64x256x128xf32, #tpu.memory_space<vmem>>, vector<1x256x128xf32>
    %swap3A_63 = vector.shape_cast %swap3A_62 : vector<1x256x128xf32> to vector<256x128xf32>
    %swap3A_64 = vector.shape_cast %slice3A_58 : vector<256x128xf32> to vector<1x256x128xf32>
    tpu.vector_store %arg5[%swap3A_59, %swap3A_60, %swap3A_61], %swap3A_64 {strides = array<i32>} : memref<64x256x128xf32, #tpu.memory_space<vmem>>, vector<1x256x128xf32>,
    %slice3A_65 = vector.extract_strided_slice %max3A_17 {offsets = [0, 896], sizes = [256, 128], strides = [1, 1]} : vector<256x8192xf32> to vector<256x128xf32>
    %swap3A_66 = arith.constant 7 : index
    %swap3A_67 = arith.constant 0 : index
    %swap3A_68 = arith.constant 0 : index
    %swap3A_69 = vector.load %arg5[%swap3A_66, %swap3A_67, %swap3A_68] : memref<64x256x128xf32, #tpu.memory_space<vmem>>, vector<1x256x128xf32>
    %swap3A_70 = vector.shape_cast %swap3A_69 : vector<1x256x128xf32> to vector<256x128xf32>
    %swap3A_71 = vector.shape_cast %slice3A_65 : vector<256x128xf32> to vector<1x256x128xf32>
    tpu.vector_store %arg5[%swap3A_66, %swap3A_67, %swap3A_68], %swap3A_71 {strides = array<i32>} : memref<64x256x128xf32, #tpu.memory_space<vmem>>, vector<1x256x128xf32>,
    %slice3A_72 = vector.extract_strided_slice %max3A_17 {offsets = [0, 1024], sizes = [256, 128], strides = [1, 1]} : vector<256x8192xf32> to vector<256x128xf32>
    %swap3A_73 = arith.constant 8 : index
    %swap3A_74 = arith.constant 0 : index
    %swap3A_75 = arith.constant 0 : index
    %swap3A_76 = vector.load %arg5[%swap3A_73, %swap3A_74, %swap3A_75] : memref<64x256x128xf32, #tpu.memory_space<vmem>>, vector<1x256x128xf32>
    %swap3A_77 = vector.shape_cast %swap3A_76 : vector<1x256x128xf32> to vector<256x128xf32>
    %swap3A_78 = vector.shape_cast %slice3A_72 : vector<256x128xf32> to vector<1x256x128xf32>
    tpu.vector_store %arg5[%swap3A_73, %swap3A_74, %swap3A_75], %swap3A_78 {strides = array<i32>} : memref<64x256x128xf32, #tpu.memory_space<vmem>>, vector<1x256x128xf32>,
    %slice3A_79 = vector.extract_strided_slice %max3A_17 {offsets = [0, 1152], sizes = [256, 128], strides = [1, 1]} : vector<256x8192xf32> to vector<256x128xf32>
    %swap3A_80 = arith.constant 9 : index
    %swap3A_81 = arith.constant 0 : index
    %swap3A_82 = arith.constant 0 : index
    %swap3A_83 = vector.load %arg5[%swap3A_80, %swap3A_81, %swap3A_82] : memref<64x256x128xf32, #tpu.memory_space<vmem>>, vector<1x256x128xf32>
    %swap3A_84 = vector.shape_cast %swap3A_83 : vector<1x256x128xf32> to vector<256x128xf32>
    %swap3A_85 = vector.shape_cast %slice3A_79 : vector<256x128xf32> to vector<1x256x128xf32>
    tpu.vector_store %arg5[%swap3A_80, %swap3A_81, %swap3A_82], %swap3A_85 {strides = array<i32>} : memref<64x256x128xf32, #tpu.memory_space<vmem>>, vector<1x256x128xf32>,
    %slice3A_86 = vector.extract_strided_slice %max3A_17 {offsets = [0, 1280], sizes = [256, 128], strides = [1, 1]} : vector<256x8192xf32> to vector<256x128xf32>
    %swap3A_87 = arith.constant 10 : index
    %swap3A_88 = arith.constant 0 : index
    %swap3A_89 = arith.constant 0 : index
    %swap3A_90 = vector.load %arg5[%swap3A_87, %swap3A_88, %swap3A_89] : memref<64x256x128xf32, #tpu.memory_space<vmem>>, vector<1x256x128xf32>
    %swap3A_91 = vector.shape_cast %swap3A_90 : vector<1x256x128xf32> to vector<256x128xf32>
    %swap3A_92 = vector.shape_cast %slice3A_86 : vector<256x128xf32> to vector<1x256x128xf32>
    tpu.vector_store %arg5[%swap3A_87, %swap3A_88, %swap3A_89], %swap3A_92 {strides = array<i32>} : memref<64x256x128xf32, #tpu.memory_space<vmem>>, vector<1x256x128xf32>,
    %slice3A_93 = vector.extract_strided_slice %max3A_17 {offsets = [0, 1408], sizes = [256, 128], strides = [1, 1]} : vector<256x8192xf32> to vector<256x128xf32>
    %swap3A_94 = arith.constant 11 : index
    %swap3A_95 = arith.constant 0 : index
    %swap3A_96 = arith.constant 0 : index
    %swap3A_97 = vector.load %arg5[%swap3A_94, %swap3A_95, %swap3A_96] : memref<64x256x128xf32, #tpu.memory_space<vmem>>, vector<1x256x128xf32>
    %swap3A_98 = vector.shape_cast %swap3A_97 : vector<1x256x128xf32> to vector<256x128xf32>
    %swap3A_99 = vector.shape_cast %slice3A_93 : vector<256x128xf32> to vector<1x256x128xf32>
    tpu.vector_store %arg5[%swap3A_94, %swap3A_95, %swap3A_96], %swap3A_99 {strides = array<i32>} : memref<64x256x128xf32, #tpu.memory_space<vmem>>, vector<1x256x128xf32>,
    %slice3A_100 = vector.extract_strided_slice %max3A_17 {offsets = [0, 1536], sizes = [256, 128], strides = [1, 1]} : vector<256x8192xf32> to vector<256x128xf32>
    %swap3A_101 = arith.constant 12 : index
    %swap3A_102 = arith.constant 0 : index
    %swap3A_103 = arith.constant 0 : index
    %swap3A_104 = vector.load %arg5[%swap3A_101, %swap3A_102, %swap3A_103] : memref<64x256x128xf32, #tpu.memory_space<vmem>>, vector<1x256x128xf32>
    %swap3A_105 = vector.shape_cast %swap3A_104 : vector<1x256x128xf32> to vector<256x128xf32>
    %swap3A_106 = vector.shape_cast %slice3A_100 : vector<256x128xf32> to vector<1x256x128xf32>
    tpu.vector_store %arg5[%swap3A_101, %swap3A_102, %swap3A_103], %swap3A_106 {strides = array<i32>} : memref<64x256x128xf32, #tpu.memory_space<vmem>>, vector<1x256x128xf32>,
    %slice3A_107 = vector.extract_strided_slice %max3A_17 {offsets = [0, 1664], sizes = [256, 128], strides = [1, 1]} : vector<256x8192xf32> to vector<256x128xf32>
    %swap3A_108 = arith.constant 13 : index
    %swap3A_109 = arith.constant 0 : index
    %swap3A_110 = arith.constant 0 : index
    %swap3A_111 = vector.load %arg5[%swap3A_108, %swap3A_109, %swap3A_110] : memref<64x256x128xf32, #tpu.memory_space<vmem>>, vector<1x256x128xf32>
    %swap3A_112 = vector.shape_cast %swap3A_111 : vector<1x256x128xf32> to vector<256x128xf32>
    %swap3A_113 = vector.shape_cast %slice3A_107 : vector<256x128xf32> to vector<1x256x128xf32>
    tpu.vector_store %arg5[%swap3A_108, %swap3A_109, %swap3A_110], %swap3A_113 {strides = array<i32>} : memref<64x256x128xf32, #tpu.memory_space<vmem>>, vector<1x256x128xf32>,
    %slice3A_114 = vector.extract_strided_slice %max3A_17 {offsets = [0, 1792], sizes = [256, 128], strides = [1, 1]} : vector<256x8192xf32> to vector<256x128xf32>
    %swap3A_115 = arith.constant 14 : index
    %swap3A_116 = arith.constant 0 : index
    %swap3A_117 = arith.constant 0 : index
    %swap3A_118 = vector.load %arg5[%swap3A_115, %swap3A_116, %swap3A_117] : memref<64x256x128xf32, #tpu.memory_space<vmem>>, vector<1x256x128xf32>
    %swap3A_119 = vector.shape_cast %swap3A_118 : vector<1x256x128xf32> to vector<256x128xf32>
    %swap3A_120 = vector.shape_cast %slice3A_114 : vector<256x128xf32> to vector<1x256x128xf32>
    tpu.vector_store %arg5[%swap3A_115, %swap3A_116, %swap3A_117], %swap3A_120 {strides = array<i32>} : memref<64x256x128xf32, #tpu.memory_space<vmem>>, vector<1x256x128xf32>,
    %slice3A_121 = vector.extract_strided_slice %max3A_17 {offsets = [0, 1920], sizes = [256, 128], strides = [1, 1]} : vector<256x8192xf32> to vector<256x128xf32>
    %swap3A_122 = arith.constant 15 : index
    %swap3A_123 = arith.constant 0 : index
    %swap3A_124 = arith.constant 0 : index
    %swap3A_125 = vector.load %arg5[%swap3A_122, %swap3A_123, %swap3A_124] : memref<64x256x128xf32, #tpu.memory_space<vmem>>, vector<1x256x128xf32>
    %swap3A_126 = vector.shape_cast %swap3A_125 : vector<1x256x128xf32> to vector<256x128xf32>
    %swap3A_127 = vector.shape_cast %slice3A_121 : vector<256x128xf32> to vector<1x256x128xf32>
    tpu.vector_store %arg5[%swap3A_122, %swap3A_123, %swap3A_124], %swap3A_127 {strides = array<i32>} : memref<64x256x128xf32, #tpu.memory_space<vmem>>, vector<1x256x128xf32>,
    %slice3A_128 = vector.extract_strided_slice %max3A_17 {offsets = [0, 2048], sizes = [256, 128], strides = [1, 1]} : vector<256x8192xf32> to vector<256x128xf32>
    %swap3A_129 = arith.constant 16 : index
    %swap3A_130 = arith.constant 0 : index
    %swap3A_131 = arith.constant 0 : index
    %swap3A_132 = vector.load %arg5[%swap3A_129, %swap3A_130, %swap3A_131] : memref<64x256x128xf32, #tpu.memory_space<vmem>>, vector<1x256x128xf32>
    %swap3A_133 = vector.shape_cast %swap3A_132 : vector<1x256x128xf32> to vector<256x128xf32>
    %swap3A_134 = vector.shape_cast %slice3A_128 : vector<256x128xf32> to vector<1x256x128xf32>
    tpu.vector_store %arg5[%swap3A_129, %swap3A_130, %swap3A_131], %swap3A_134 {strides = array<i32>} : memref<64x256x128xf32, #tpu.memory_space<vmem>>, vector<1x256x128xf32>,
    %slice3A_135 = vector.extract_strided_slice %max3A_17 {offsets = [0, 2176], sizes = [256, 128], strides = [1, 1]} : vector<256x8192xf32> to vector<256x128xf32>
    %swap3A_136 = arith.constant 17 : index
    %swap3A_137 = arith.constant 0 : index
    %swap3A_138 = arith.constant 0 : index
    %swap3A_139 = vector.load %arg5[%swap3A_136, %swap3A_137, %swap3A_138] : memref<64x256x128xf32, #tpu.memory_space<vmem>>, vector<1x256x128xf32>
    %swap3A_140 = vector.shape_cast %swap3A_139 : vector<1x256x128xf32> to vector<256x128xf32>
    %swap3A_141 = vector.shape_cast %slice3A_135 : vector<256x128xf32> to vector<1x256x128xf32>
    tpu.vector_store %arg5[%swap3A_136, %swap3A_137, %swap3A_138], %swap3A_141 {strides = array<i32>} : memref<64x256x128xf32, #tpu.memory_space<vmem>>, vector<1x256x128xf32>,
    %slice3A_142 = vector.extract_strided_slice %max3A_17 {offsets = [0, 2304], sizes = [256, 128], strides = [1, 1]} : vector<256x8192xf32> to vector<256x128xf32>
    %swap3A_143 = arith.constant 18 : index
    %swap3A_144 = arith.constant 0 : index
    %swap3A_145 = arith.constant 0 : index
    %swap3A_146 = vector.load %arg5[%swap3A_143, %swap3A_144, %swap3A_145] : memref<64x256x128xf32, #tpu.memory_space<vmem>>, vector<1x256x128xf32>
    %swap3A_147 = vector.shape_cast %swap3A_146 : vector<1x256x128xf32> to vector<256x128xf32>
    %swap3A_148 = vector.shape_cast %slice3A_142 : vector<256x128xf32> to vector<1x256x128xf32>
    tpu.vector_store %arg5[%swap3A_143, %swap3A_144, %swap3A_145], %swap3A_148 {strides = array<i32>} : memref<64x256x128xf32, #tpu.memory_space<vmem>>, vector<1x256x128xf32>,
    %slice3A_149 = vector.extract_strided_slice %max3A_17 {offsets = [0, 2432], sizes = [256, 128], strides = [1, 1]} : vector<256x8192xf32> to vector<256x128xf32>
    %swap3A_150 = arith.constant 19 : index
    %swap3A_151 = arith.constant 0 : index
    %swap3A_152 = arith.constant 0 : index
    %swap3A_153 = vector.load %arg5[%swap3A_150, %swap3A_151, %swap3A_152] : memref<64x256x128xf32, #tpu.memory_space<vmem>>, vector<1x256x128xf32>
    %swap3A_154 = vector.shape_cast %swap3A_153 : vector<1x256x128xf32> to vector<256x128xf32>
    %swap3A_155 = vector.shape_cast %slice3A_149 : vector<256x128xf32> to vector<1x256x128xf32>
    tpu.vector_store %arg5[%swap3A_150, %swap3A_151, %swap3A_152], %swap3A_155 {strides = array<i32>} : memref<64x256x128xf32, #tpu.memory_space<vmem>>, vector<1x256x128xf32>,
    %slice3A_156 = vector.extract_strided_slice %max3A_17 {offsets = [0, 2560], sizes = [256, 128], strides = [1, 1]} : vector<256x8192xf32> to vector<256x128xf32>
    %swap3A_157 = arith.constant 20 : index
    %swap3A_158 = arith.constant 0 : index
    %swap3A_159 = arith.constant 0 : index
    %swap3A_160 = vector.load %arg5[%swap3A_157, %swap3A_158, %swap3A_159] : memref<64x256x128xf32, #tpu.memory_space<vmem>>, vector<1x256x128xf32>
    %swap3A_161 = vector.shape_cast %swap3A_160 : vector<1x256x128xf32> to vector<256x128xf32>
    %swap3A_162 = vector.shape_cast %slice3A_156 : vector<256x128xf32> to vector<1x256x128xf32>
    tpu.vector_store %arg5[%swap3A_157, %swap3A_158, %swap3A_159], %swap3A_162 {strides = array<i32>} : memref<64x256x128xf32, #tpu.memory_space<vmem>>, vector<1x256x128xf32>,
    %slice3A_163 = vector.extract_strided_slice %max3A_17 {offsets = [0, 2688], sizes = [256, 128], strides = [1, 1]} : vector<256x8192xf32> to vector<256x128xf32>
    %swap3A_164 = arith.constant 21 : index
    %swap3A_165 = arith.constant 0 : index
    %swap3A_166 = arith.constant 0 : index
    %swap3A_167 = vector.load %arg5[%swap3A_164, %swap3A_165, %swap3A_166] : memref<64x256x128xf32, #tpu.memory_space<vmem>>, vector<1x256x128xf32>
    %swap3A_168 = vector.shape_cast %swap3A_167 : vector<1x256x128xf32> to vector<256x128xf32>
    %swap3A_169 = vector.shape_cast %slice3A_163 : vector<256x128xf32> to vector<1x256x128xf32>
    tpu.vector_store %arg5[%swap3A_164, %swap3A_165, %swap3A_166], %swap3A_169 {strides = array<i32>} : memref<64x256x128xf32, #tpu.memory_space<vmem>>, vector<1x256x128xf32>,
    %slice3A_170 = vector.extract_strided_slice %max3A_17 {offsets = [0, 2816], sizes = [256, 128], strides = [1, 1]} : vector<256x8192xf32> to vector<256x128xf32>
    %swap3A_171 = arith.constant 22 : index
    %swap3A_172 = arith.constant 0 : index
    %swap3A_173 = arith.constant 0 : index
    %swap3A_174 = vector.load %arg5[%swap3A_171, %swap3A_172, %swap3A_173] : memref<64x256x128xf32, #tpu.memory_space<vmem>>, vector<1x256x128xf32>
    %swap3A_175 = vector.shape_cast %swap3A_174 : vector<1x256x128xf32> to vector<256x128xf32>
    %swap3A_176 = vector.shape_cast %slice3A_170 : vector<256x128xf32> to vector<1x256x128xf32>
    tpu.vector_store %arg5[%swap3A_171, %swap3A_172, %swap3A_173], %swap3A_176 {strides = array<i32>} : memref<64x256x128xf32, #tpu.memory_space<vmem>>, vector<1x256x128xf32>,
    %slice3A_177 = vector.extract_strided_slice %max3A_17 {offsets = [0, 2944], sizes = [256, 128], strides = [1, 1]} : vector<256x8192xf32> to vector<256x128xf32>
    %swap3A_178 = arith.constant 23 : index
    %swap3A_179 = arith.constant 0 : index
    %swap3A_180 = arith.constant 0 : index
    %swap3A_181 = vector.load %arg5[%swap3A_178, %swap3A_179, %swap3A_180] : memref<64x256x128xf32, #tpu.memory_space<vmem>>, vector<1x256x128xf32>
    %swap3A_182 = vector.shape_cast %swap3A_181 : vector<1x256x128xf32> to vector<256x128xf32>
    %swap3A_183 = vector.shape_cast %slice3A_177 : vector<256x128xf32> to vector<1x256x128xf32>
    tpu.vector_store %arg5[%swap3A_178, %swap3A_179, %swap3A_180], %swap3A_183 {strides = array<i32>} : memref<64x256x128xf32, #tpu.memory_space<vmem>>, vector<1x256x128xf32>,
    %slice3A_184 = vector.extract_strided_slice %max3A_17 {offsets = [0, 3072], sizes = [256, 128], strides = [1, 1]} : vector<256x8192xf32> to vector<256x128xf32>
    %swap3A_185 = arith.constant 24 : index
    %swap3A_186 = arith.constant 0 : index
    %swap3A_187 = arith.constant 0 : index
    %swap3A_188 = vector.load %arg5[%swap3A_185, %swap3A_186, %swap3A_187] : memref<64x256x128xf32, #tpu.memory_space<vmem>>, vector<1x256x128xf32>
    %swap3A_189 = vector.shape_cast %swap3A_188 : vector<1x256x128xf32> to vector<256x128xf32>
    %swap3A_190 = vector.shape_cast %slice3A_184 : vector<256x128xf32> to vector<1x256x128xf32>
    tpu.vector_store %arg5[%swap3A_185, %swap3A_186, %swap3A_187], %swap3A_190 {strides = array<i32>} : memref<64x256x128xf32, #tpu.memory_space<vmem>>, vector<1x256x128xf32>,
    %slice3A_191 = vector.extract_strided_slice %max3A_17 {offsets = [0, 3200], sizes = [256, 128], strides = [1, 1]} : vector<256x8192xf32> to vector<256x128xf32>
    %swap3A_192 = arith.constant 25 : index
    %swap3A_193 = arith.constant 0 : index
    %swap3A_194 = arith.constant 0 : index
    %swap3A_195 = vector.load %arg5[%swap3A_192, %swap3A_193, %swap3A_194] : memref<64x256x128xf32, #tpu.memory_space<vmem>>, vector<1x256x128xf32>
    %swap3A_196 = vector.shape_cast %swap3A_195 : vector<1x256x128xf32> to vector<256x128xf32>
    %swap3A_197 = vector.shape_cast %slice3A_191 : vector<256x128xf32> to vector<1x256x128xf32>
    tpu.vector_store %arg5[%swap3A_192, %swap3A_193, %swap3A_194], %swap3A_197 {strides = array<i32>} : memref<64x256x128xf32, #tpu.memory_space<vmem>>, vector<1x256x128xf32>,
    %slice3A_198 = vector.extract_strided_slice %max3A_17 {offsets = [0, 3328], sizes = [256, 128], strides = [1, 1]} : vector<256x8192xf32> to vector<256x128xf32>
    %swap3A_199 = arith.constant 26 : index
    %swap3A_200 = arith.constant 0 : index
    %swap3A_201 = arith.constant 0 : index
    %swap3A_202 = vector.load %arg5[%swap3A_199, %swap3A_200, %swap3A_201] : memref<64x256x128xf32, #tpu.memory_space<vmem>>, vector<1x256x128xf32>
    %swap3A_203 = vector.shape_cast %swap3A_202 : vector<1x256x128xf32> to vector<256x128xf32>
    %swap3A_204 = vector.shape_cast %slice3A_198 : vector<256x128xf32> to vector<1x256x128xf32>
    tpu.vector_store %arg5[%swap3A_199, %swap3A_200, %swap3A_201], %swap3A_204 {strides = array<i32>} : memref<64x256x128xf32, #tpu.memory_space<vmem>>, vector<1x256x128xf32>,
    %slice3A_205 = vector.extract_strided_slice %max3A_17 {offsets = [0, 3456], sizes = [256, 128], strides = [1, 1]} : vector<256x8192xf32> to vector<256x128xf32>
    %swap3A_206 = arith.constant 27 : index
    %swap3A_207 = arith.constant 0 : index
    %swap3A_208 = arith.constant 0 : index
    %swap3A_209 = vector.load %arg5[%swap3A_206, %swap3A_207, %swap3A_208] : memref<64x256x128xf32, #tpu.memory_space<vmem>>, vector<1x256x128xf32>
    %swap3A_210 = vector.shape_cast %swap3A_209 : vector<1x256x128xf32> to vector<256x128xf32>
    %swap3A_211 = vector.shape_cast %slice3A_205 : vector<256x128xf32> to vector<1x256x128xf32>
    tpu.vector_store %arg5[%swap3A_206, %swap3A_207, %swap3A_208], %swap3A_211 {strides = array<i32>} : memref<64x256x128xf32, #tpu.memory_space<vmem>>, vector<1x256x128xf32>,
    %slice3A_212 = vector.extract_strided_slice %max3A_17 {offsets = [0, 3584], sizes = [256, 128], strides = [1, 1]} : vector<256x8192xf32> to vector<256x128xf32>
    %swap3A_213 = arith.constant 28 : index
    %swap3A_214 = arith.constant 0 : index
    %swap3A_215 = arith.constant 0 : index
    %swap3A_216 = vector.load %arg5[%swap3A_213, %swap3A_214, %swap3A_215] : memref<64x256x128xf32, #tpu.memory_space<vmem>>, vector<1x256x128xf32>
    %swap3A_217 = vector.shape_cast %swap3A_216 : vector<1x256x128xf32> to vector<256x128xf32>
    %swap3A_218 = vector.shape_cast %slice3A_212 : vector<256x128xf32> to vector<1x256x128xf32>
    tpu.vector_store %arg5[%swap3A_213, %swap3A_214, %swap3A_215], %swap3A_218 {strides = array<i32>} : memref<64x256x128xf32, #tpu.memory_space<vmem>>, vector<1x256x128xf32>,
    %slice3A_219 = vector.extract_strided_slice %max3A_17 {offsets = [0, 3712], sizes = [256, 128], strides = [1, 1]} : vector<256x8192xf32> to vector<256x128xf32>
    %swap3A_220 = arith.constant 29 : index
    %swap3A_221 = arith.constant 0 : index
    %swap3A_222 = arith.constant 0 : index
    %swap3A_223 = vector.load %arg5[%swap3A_220, %swap3A_221, %swap3A_222] : memref<64x256x128xf32, #tpu.memory_space<vmem>>, vector<1x256x128xf32>
    %swap3A_224 = vector.shape_cast %swap3A_223 : vector<1x256x128xf32> to vector<256x128xf32>
    %swap3A_225 = vector.shape_cast %slice3A_219 : vector<256x128xf32> to vector<1x256x128xf32>
    tpu.vector_store %arg5[%swap3A_220, %swap3A_221, %swap3A_222], %swap3A_225 {strides = array<i32>} : memref<64x256x128xf32, #tpu.memory_space<vmem>>, vector<1x256x128xf32>,
    %slice3A_226 = vector.extract_strided_slice %max3A_17 {offsets = [0, 3840], sizes = [256, 128], strides = [1, 1]} : vector<256x8192xf32> to vector<256x128xf32>
    %swap3A_227 = arith.constant 30 : index
    %swap3A_228 = arith.constant 0 : index
    %swap3A_229 = arith.constant 0 : index
    %swap3A_230 = vector.load %arg5[%swap3A_227, %swap3A_228, %swap3A_229] : memref<64x256x128xf32, #tpu.memory_space<vmem>>, vector<1x256x128xf32>
    %swap3A_231 = vector.shape_cast %swap3A_230 : vector<1x256x128xf32> to vector<256x128xf32>
    %swap3A_232 = vector.shape_cast %slice3A_226 : vector<256x128xf32> to vector<1x256x128xf32>
    tpu.vector_store %arg5[%swap3A_227, %swap3A_228, %swap3A_229], %swap3A_232 {strides = array<i32>} : memref<64x256x128xf32, #tpu.memory_space<vmem>>, vector<1x256x128xf32>,
    %slice3A_233 = vector.extract_strided_slice %max3A_17 {offsets = [0, 3968], sizes = [256, 128], strides = [1, 1]} : vector<256x8192xf32> to vector<256x128xf32>
    %swap3A_234 = arith.constant 31 : index
    %swap3A_235 = arith.constant 0 : index
    %swap3A_236 = arith.constant 0 : index
    %swap3A_237 = vector.load %arg5[%swap3A_234, %swap3A_235, %swap3A_236] : memref<64x256x128xf32, #tpu.memory_space<vmem>>, vector<1x256x128xf32>
    %swap3A_238 = vector.shape_cast %swap3A_237 : vector<1x256x128xf32> to vector<256x128xf32>
    %swap3A_239 = vector.shape_cast %slice3A_233 : vector<256x128xf32> to vector<1x256x128xf32>
    tpu.vector_store %arg5[%swap3A_234, %swap3A_235, %swap3A_236], %swap3A_239 {strides = array<i32>} : memref<64x256x128xf32, #tpu.memory_space<vmem>>, vector<1x256x128xf32>,
    %slice3A_240 = vector.extract_strided_slice %max3A_17 {offsets = [0, 4096], sizes = [256, 128], strides = [1, 1]} : vector<256x8192xf32> to vector<256x128xf32>
    %swap3A_241 = arith.constant 32 : index
    %swap3A_242 = arith.constant 0 : index
    %swap3A_243 = arith.constant 0 : index
    %swap3A_244 = vector.load %arg5[%swap3A_241, %swap3A_242, %swap3A_243] : memref<64x256x128xf32, #tpu.memory_space<vmem>>, vector<1x256x128xf32>
    %swap3A_245 = vector.shape_cast %swap3A_244 : vector<1x256x128xf32> to vector<256x128xf32>
    %swap3A_246 = vector.shape_cast %slice3A_240 : vector<256x128xf32> to vector<1x256x128xf32>
    tpu.vector_store %arg5[%swap3A_241, %swap3A_242, %swap3A_243], %swap3A_246 {strides = array<i32>} : memref<64x256x128xf32, #tpu.memory_space<vmem>>, vector<1x256x128xf32>,
    %slice3A_247 = vector.extract_strided_slice %max3A_17 {offsets = [0, 4224], sizes = [256, 128], strides = [1, 1]} : vector<256x8192xf32> to vector<256x128xf32>
    %swap3A_248 = arith.constant 33 : index
    %swap3A_249 = arith.constant 0 : index
    %swap3A_250 = arith.constant 0 : index
    %swap3A_251 = vector.load %arg5[%swap3A_248, %swap3A_249, %swap3A_250] : memref<64x256x128xf32, #tpu.memory_space<vmem>>, vector<1x256x128xf32>
    %swap3A_252 = vector.shape_cast %swap3A_251 : vector<1x256x128xf32> to vector<256x128xf32>
    %swap3A_253 = vector.shape_cast %slice3A_247 : vector<256x128xf32> to vector<1x256x128xf32>
    tpu.vector_store %arg5[%swap3A_248, %swap3A_249, %swap3A_250], %swap3A_253 {strides = array<i32>} : memref<64x256x128xf32, #tpu.memory_space<vmem>>, vector<1x256x128xf32>,
    %slice3A_254 = vector.extract_strided_slice %max3A_17 {offsets = [0, 4352], sizes = [256, 128], strides = [1, 1]} : vector<256x8192xf32> to vector<256x128xf32>
    %swap3A_255 = arith.constant 34 : index
    %swap3A_256 = arith.constant 0 : index
    %swap3A_257 = arith.constant 0 : index
    %swap3A_258 = vector.load %arg5[%swap3A_255, %swap3A_256, %swap3A_257] : memref<64x256x128xf32, #tpu.memory_space<vmem>>, vector<1x256x128xf32>
    %swap3A_259 = vector.shape_cast %swap3A_258 : vector<1x256x128xf32> to vector<256x128xf32>
    %swap3A_260 = vector.shape_cast %slice3A_254 : vector<256x128xf32> to vector<1x256x128xf32>
    tpu.vector_store %arg5[%swap3A_255, %swap3A_256, %swap3A_257], %swap3A_260 {strides = array<i32>} : memref<64x256x128xf32, #tpu.memory_space<vmem>>, vector<1x256x128xf32>,
    %slice3A_261 = vector.extract_strided_slice %max3A_17 {offsets = [0, 4480], sizes = [256, 128], strides = [1, 1]} : vector<256x8192xf32> to vector<256x128xf32>
    %swap3A_262 = arith.constant 35 : index
    %swap3A_263 = arith.constant 0 : index
    %swap3A_264 = arith.constant 0 : index
    %swap3A_265 = vector.load %arg5[%swap3A_262, %swap3A_263, %swap3A_264] : memref<64x256x128xf32, #tpu.memory_space<vmem>>, vector<1x256x128xf32>
    %swap3A_266 = vector.shape_cast %swap3A_265 : vector<1x256x128xf32> to vector<256x128xf32>
    %swap3A_267 = vector.shape_cast %slice3A_261 : vector<256x128xf32> to vector<1x256x128xf32>
    tpu.vector_store %arg5[%swap3A_262, %swap3A_263, %swap3A_264], %swap3A_267 {strides = array<i32>} : memref<64x256x128xf32, #tpu.memory_space<vmem>>, vector<1x256x128xf32>,
    %slice3A_268 = vector.extract_strided_slice %max3A_17 {offsets = [0, 4608], sizes = [256, 128], strides = [1, 1]} : vector<256x8192xf32> to vector<256x128xf32>
    %swap3A_269 = arith.constant 36 : index
    %swap3A_270 = arith.constant 0 : index
    %swap3A_271 = arith.constant 0 : index
    %swap3A_272 = vector.load %arg5[%swap3A_269, %swap3A_270, %swap3A_271] : memref<64x256x128xf32, #tpu.memory_space<vmem>>, vector<1x256x128xf32>
    %swap3A_273 = vector.shape_cast %swap3A_272 : vector<1x256x128xf32> to vector<256x128xf32>
    %swap3A_274 = vector.shape_cast %slice3A_268 : vector<256x128xf32> to vector<1x256x128xf32>
    tpu.vector_store %arg5[%swap3A_269, %swap3A_270, %swap3A_271], %swap3A_274 {strides = array<i32>} : memref<64x256x128xf32, #tpu.memory_space<vmem>>, vector<1x256x128xf32>,
    %slice3A_275 = vector.extract_strided_slice %max3A_17 {offsets = [0, 4736], sizes = [256, 128], strides = [1, 1]} : vector<256x8192xf32> to vector<256x128xf32>
    %swap3A_276 = arith.constant 37 : index
    %swap3A_277 = arith.constant 0 : index
    %swap3A_278 = arith.constant 0 : index
    %swap3A_279 = vector.load %arg5[%swap3A_276, %swap3A_277, %swap3A_278] : memref<64x256x128xf32, #tpu.memory_space<vmem>>, vector<1x256x128xf32>
    %swap3A_280 = vector.shape_cast %swap3A_279 : vector<1x256x128xf32> to vector<256x128xf32>
    %swap3A_281 = vector.shape_cast %slice3A_275 : vector<256x128xf32> to vector<1x256x128xf32>
    tpu.vector_store %arg5[%swap3A_276, %swap3A_277, %swap3A_278], %swap3A_281 {strides = array<i32>} : memref<64x256x128xf32, #tpu.memory_space<vmem>>, vector<1x256x128xf32>,
    %slice3A_282 = vector.extract_strided_slice %max3A_17 {offsets = [0, 4864], sizes = [256, 128], strides = [1, 1]} : vector<256x8192xf32> to vector<256x128xf32>
    %swap3A_283 = arith.constant 38 : index
    %swap3A_284 = arith.constant 0 : index
    %swap3A_285 = arith.constant 0 : index
    %swap3A_286 = vector.load %arg5[%swap3A_283, %swap3A_284, %swap3A_285] : memref<64x256x128xf32, #tpu.memory_space<vmem>>, vector<1x256x128xf32>
    %swap3A_287 = vector.shape_cast %swap3A_286 : vector<1x256x128xf32> to vector<256x128xf32>
    %swap3A_288 = vector.shape_cast %slice3A_282 : vector<256x128xf32> to vector<1x256x128xf32>
    tpu.vector_store %arg5[%swap3A_283, %swap3A_284, %swap3A_285], %swap3A_288 {strides = array<i32>} : memref<64x256x128xf32, #tpu.memory_space<vmem>>, vector<1x256x128xf32>,
    %slice3A_289 = vector.extract_strided_slice %max3A_17 {offsets = [0, 4992], sizes = [256, 128], strides = [1, 1]} : vector<256x8192xf32> to vector<256x128xf32>
    %swap3A_290 = arith.constant 39 : index
    %swap3A_291 = arith.constant 0 : index
    %swap3A_292 = arith.constant 0 : index
    %swap3A_293 = vector.load %arg5[%swap3A_290, %swap3A_291, %swap3A_292] : memref<64x256x128xf32, #tpu.memory_space<vmem>>, vector<1x256x128xf32>
    %swap3A_294 = vector.shape_cast %swap3A_293 : vector<1x256x128xf32> to vector<256x128xf32>
    %swap3A_295 = vector.shape_cast %slice3A_289 : vector<256x128xf32> to vector<1x256x128xf32>
    tpu.vector_store %arg5[%swap3A_290, %swap3A_291, %swap3A_292], %swap3A_295 {strides = array<i32>} : memref<64x256x128xf32, #tpu.memory_space<vmem>>, vector<1x256x128xf32>,
    %slice3A_296 = vector.extract_strided_slice %max3A_17 {offsets = [0, 5120], sizes = [256, 128], strides = [1, 1]} : vector<256x8192xf32> to vector<256x128xf32>
    %swap3A_297 = arith.constant 40 : index
    %swap3A_298 = arith.constant 0 : index
    %swap3A_299 = arith.constant 0 : index
    %swap3A_300 = vector.load %arg5[%swap3A_297, %swap3A_298, %swap3A_299] : memref<64x256x128xf32, #tpu.memory_space<vmem>>, vector<1x256x128xf32>
    %swap3A_301 = vector.shape_cast %swap3A_300 : vector<1x256x128xf32> to vector<256x128xf32>
    %swap3A_302 = vector.shape_cast %slice3A_296 : vector<256x128xf32> to vector<1x256x128xf32>
    tpu.vector_store %arg5[%swap3A_297, %swap3A_298, %swap3A_299], %swap3A_302 {strides = array<i32>} : memref<64x256x128xf32, #tpu.memory_space<vmem>>, vector<1x256x128xf32>,
    %slice3A_303 = vector.extract_strided_slice %max3A_17 {offsets = [0, 5248], sizes = [256, 128], strides = [1, 1]} : vector<256x8192xf32> to vector<256x128xf32>
    %swap3A_304 = arith.constant 41 : index
    %swap3A_305 = arith.constant 0 : index
    %swap3A_306 = arith.constant 0 : index
    %swap3A_307 = vector.load %arg5[%swap3A_304, %swap3A_305, %swap3A_306] : memref<64x256x128xf32, #tpu.memory_space<vmem>>, vector<1x256x128xf32>
    %swap3A_308 = vector.shape_cast %swap3A_307 : vector<1x256x128xf32> to vector<256x128xf32>
    %swap3A_309 = vector.shape_cast %slice3A_303 : vector<256x128xf32> to vector<1x256x128xf32>
    tpu.vector_store %arg5[%swap3A_304, %swap3A_305, %swap3A_306], %swap3A_309 {strides = array<i32>} : memref<64x256x128xf32, #tpu.memory_space<vmem>>, vector<1x256x128xf32>,
    %slice3A_310 = vector.extract_strided_slice %max3A_17 {offsets = [0, 5376], sizes = [256, 128], strides = [1, 1]} : vector<256x8192xf32> to vector<256x128xf32>
    %swap3A_311 = arith.constant 42 : index
    %swap3A_312 = arith.constant 0 : index
    %swap3A_313 = arith.constant 0 : index
    %swap3A_314 = vector.load %arg5[%swap3A_311, %swap3A_312, %swap3A_313] : memref<64x256x128xf32, #tpu.memory_space<vmem>>, vector<1x256x128xf32>
    %swap3A_315 = vector.shape_cast %swap3A_314 : vector<1x256x128xf32> to vector<256x128xf32>
    %swap3A_316 = vector.shape_cast %slice3A_310 : vector<256x128xf32> to vector<1x256x128xf32>
    tpu.vector_store %arg5[%swap3A_311, %swap3A_312, %swap3A_313], %swap3A_316 {strides = array<i32>} : memref<64x256x128xf32, #tpu.memory_space<vmem>>, vector<1x256x128xf32>,
    %slice3A_317 = vector.extract_strided_slice %max3A_17 {offsets = [0, 5504], sizes = [256, 128], strides = [1, 1]} : vector<256x8192xf32> to vector<256x128xf32>
    %swap3A_318 = arith.constant 43 : index
    %swap3A_319 = arith.constant 0 : index
    %swap3A_320 = arith.constant 0 : index
    %swap3A_321 = vector.load %arg5[%swap3A_318, %swap3A_319, %swap3A_320] : memref<64x256x128xf32, #tpu.memory_space<vmem>>, vector<1x256x128xf32>
    %swap3A_322 = vector.shape_cast %swap3A_321 : vector<1x256x128xf32> to vector<256x128xf32>
    %swap3A_323 = vector.shape_cast %slice3A_317 : vector<256x128xf32> to vector<1x256x128xf32>
    tpu.vector_store %arg5[%swap3A_318, %swap3A_319, %swap3A_320], %swap3A_323 {strides = array<i32>} : memref<64x256x128xf32, #tpu.memory_space<vmem>>, vector<1x256x128xf32>,
    %slice3A_324 = vector.extract_strided_slice %max3A_17 {offsets = [0, 5632], sizes = [256, 128], strides = [1, 1]} : vector<256x8192xf32> to vector<256x128xf32>
    %swap3A_325 = arith.constant 44 : index
    %swap3A_326 = arith.constant 0 : index
    %swap3A_327 = arith.constant 0 : index
    %swap3A_328 = vector.load %arg5[%swap3A_325, %swap3A_326, %swap3A_327] : memref<64x256x128xf32, #tpu.memory_space<vmem>>, vector<1x256x128xf32>
    %swap3A_329 = vector.shape_cast %swap3A_328 : vector<1x256x128xf32> to vector<256x128xf32>
    %swap3A_330 = vector.shape_cast %slice3A_324 : vector<256x128xf32> to vector<1x256x128xf32>
    tpu.vector_store %arg5[%swap3A_325, %swap3A_326, %swap3A_327], %swap3A_330 {strides = array<i32>} : memref<64x256x128xf32, #tpu.memory_space<vmem>>, vector<1x256x128xf32>,
    %slice3A_331 = vector.extract_strided_slice %max3A_17 {offsets = [0, 5760], sizes = [256, 128], strides = [1, 1]} : vector<256x8192xf32> to vector<256x128xf32>
    %swap3A_332 = arith.constant 45 : index
    %swap3A_333 = arith.constant 0 : index
    %swap3A_334 = arith.constant 0 : index
    %swap3A_335 = vector.load %arg5[%swap3A_332, %swap3A_333, %swap3A_334] : memref<64x256x128xf32, #tpu.memory_space<vmem>>, vector<1x256x128xf32>
    %swap3A_336 = vector.shape_cast %swap3A_335 : vector<1x256x128xf32> to vector<256x128xf32>
    %swap3A_337 = vector.shape_cast %slice3A_331 : vector<256x128xf32> to vector<1x256x128xf32>
    tpu.vector_store %arg5[%swap3A_332, %swap3A_333, %swap3A_334], %swap3A_337 {strides = array<i32>} : memref<64x256x128xf32, #tpu.memory_space<vmem>>, vector<1x256x128xf32>,
    %slice3A_338 = vector.extract_strided_slice %max3A_17 {offsets = [0, 5888], sizes = [256, 128], strides = [1, 1]} : vector<256x8192xf32> to vector<256x128xf32>
    %swap3A_339 = arith.constant 46 : index
    %swap3A_340 = arith.constant 0 : index
    %swap3A_341 = arith.constant 0 : index
    %swap3A_342 = vector.load %arg5[%swap3A_339, %swap3A_340, %swap3A_341] : memref<64x256x128xf32, #tpu.memory_space<vmem>>, vector<1x256x128xf32>
    %swap3A_343 = vector.shape_cast %swap3A_342 : vector<1x256x128xf32> to vector<256x128xf32>
    %swap3A_344 = vector.shape_cast %slice3A_338 : vector<256x128xf32> to vector<1x256x128xf32>
    tpu.vector_store %arg5[%swap3A_339, %swap3A_340, %swap3A_341], %swap3A_344 {strides = array<i32>} : memref<64x256x128xf32, #tpu.memory_space<vmem>>, vector<1x256x128xf32>,
    %slice3A_345 = vector.extract_strided_slice %max3A_17 {offsets = [0, 6016], sizes = [256, 128], strides = [1, 1]} : vector<256x8192xf32> to vector<256x128xf32>
    %swap3A_346 = arith.constant 47 : index
    %swap3A_347 = arith.constant 0 : index
    %swap3A_348 = arith.constant 0 : index
    %swap3A_349 = vector.load %arg5[%swap3A_346, %swap3A_347, %swap3A_348] : memref<64x256x128xf32, #tpu.memory_space<vmem>>, vector<1x256x128xf32>
    %swap3A_350 = vector.shape_cast %swap3A_349 : vector<1x256x128xf32> to vector<256x128xf32>
    %swap3A_351 = vector.shape_cast %slice3A_345 : vector<256x128xf32> to vector<1x256x128xf32>
    tpu.vector_store %arg5[%swap3A_346, %swap3A_347, %swap3A_348], %swap3A_351 {strides = array<i32>} : memref<64x256x128xf32, #tpu.memory_space<vmem>>, vector<1x256x128xf32>,
    %slice3A_352 = vector.extract_strided_slice %max3A_17 {offsets = [0, 6144], sizes = [256, 128], strides = [1, 1]} : vector<256x8192xf32> to vector<256x128xf32>
    %swap3A_353 = arith.constant 48 : index
    %swap3A_354 = arith.constant 0 : index
    %swap3A_355 = arith.constant 0 : index
    %swap3A_356 = vector.load %arg5[%swap3A_353, %swap3A_354, %swap3A_355] : memref<64x256x128xf32, #tpu.memory_space<vmem>>, vector<1x256x128xf32>
    %swap3A_357 = vector.shape_cast %swap3A_356 : vector<1x256x128xf32> to vector<256x128xf32>
    %swap3A_358 = vector.shape_cast %slice3A_352 : vector<256x128xf32> to vector<1x256x128xf32>
    tpu.vector_store %arg5[%swap3A_353, %swap3A_354, %swap3A_355], %swap3A_358 {strides = array<i32>} : memref<64x256x128xf32, #tpu.memory_space<vmem>>, vector<1x256x128xf32>,
    %slice3A_359 = vector.extract_strided_slice %max3A_17 {offsets = [0, 6272], sizes = [256, 128], strides = [1, 1]} : vector<256x8192xf32> to vector<256x128xf32>
    %swap3A_360 = arith.constant 49 : index
    %swap3A_361 = arith.constant 0 : index
    %swap3A_362 = arith.constant 0 : index
    %swap3A_363 = vector.load %arg5[%swap3A_360, %swap3A_361, %swap3A_362] : memref<64x256x128xf32, #tpu.memory_space<vmem>>, vector<1x256x128xf32>
    %swap3A_364 = vector.shape_cast %swap3A_363 : vector<1x256x128xf32> to vector<256x128xf32>
    %swap3A_365 = vector.shape_cast %slice3A_359 : vector<256x128xf32> to vector<1x256x128xf32>
    tpu.vector_store %arg5[%swap3A_360, %swap3A_361, %swap3A_362], %swap3A_365 {strides = array<i32>} : memref<64x256x128xf32, #tpu.memory_space<vmem>>, vector<1x256x128xf32>,
    %slice3A_366 = vector.extract_strided_slice %max3A_17 {offsets = [0, 6400], sizes = [256, 128], strides = [1, 1]} : vector<256x8192xf32> to vector<256x128xf32>
    %swap3A_367 = arith.constant 50 : index
    %swap3A_368 = arith.constant 0 : index
    %swap3A_369 = arith.constant 0 : index
    %swap3A_370 = vector.load %arg5[%swap3A_367, %swap3A_368, %swap3A_369] : memref<64x256x128xf32, #tpu.memory_space<vmem>>, vector<1x256x128xf32>
    %swap3A_371 = vector.shape_cast %swap3A_370 : vector<1x256x128xf32> to vector<256x128xf32>
    %swap3A_372 = vector.shape_cast %slice3A_366 : vector<256x128xf32> to vector<1x256x128xf32>
    tpu.vector_store %arg5[%swap3A_367, %swap3A_368, %swap3A_369], %swap3A_372 {strides = array<i32>} : memref<64x256x128xf32, #tpu.memory_space<vmem>>, vector<1x256x128xf32>,
    %slice3A_373 = vector.extract_strided_slice %max3A_17 {offsets = [0, 6528], sizes = [256, 128], strides = [1, 1]} : vector<256x8192xf32> to vector<256x128xf32>
    %swap3A_374 = arith.constant 51 : index
    %swap3A_375 = arith.constant 0 : index
    %swap3A_376 = arith.constant 0 : index
    %swap3A_377 = vector.load %arg5[%swap3A_374, %swap3A_375, %swap3A_376] : memref<64x256x128xf32, #tpu.memory_space<vmem>>, vector<1x256x128xf32>
    %swap3A_378 = vector.shape_cast %swap3A_377 : vector<1x256x128xf32> to vector<256x128xf32>
    %swap3A_379 = vector.shape_cast %slice3A_373 : vector<256x128xf32> to vector<1x256x128xf32>
    tpu.vector_store %arg5[%swap3A_374, %swap3A_375, %swap3A_376], %swap3A_379 {strides = array<i32>} : memref<64x256x128xf32, #tpu.memory_space<vmem>>, vector<1x256x128xf32>,
    %slice3A_380 = vector.extract_strided_slice %max3A_17 {offsets = [0, 6656], sizes = [256, 128], strides = [1, 1]} : vector<256x8192xf32> to vector<256x128xf32>
    %swap3A_381 = arith.constant 52 : index
    %swap3A_382 = arith.constant 0 : index
    %swap3A_383 = arith.constant 0 : index
    %swap3A_384 = vector.load %arg5[%swap3A_381, %swap3A_382, %swap3A_383] : memref<64x256x128xf32, #tpu.memory_space<vmem>>, vector<1x256x128xf32>
    %swap3A_385 = vector.shape_cast %swap3A_384 : vector<1x256x128xf32> to vector<256x128xf32>
    %swap3A_386 = vector.shape_cast %slice3A_380 : vector<256x128xf32> to vector<1x256x128xf32>
    tpu.vector_store %arg5[%swap3A_381, %swap3A_382, %swap3A_383], %swap3A_386 {strides = array<i32>} : memref<64x256x128xf32, #tpu.memory_space<vmem>>, vector<1x256x128xf32>,
    %slice3A_387 = vector.extract_strided_slice %max3A_17 {offsets = [0, 6784], sizes = [256, 128], strides = [1, 1]} : vector<256x8192xf32> to vector<256x128xf32>
    %swap3A_388 = arith.constant 53 : index
    %swap3A_389 = arith.constant 0 : index
    %swap3A_390 = arith.constant 0 : index
    %swap3A_391 = vector.load %arg5[%swap3A_388, %swap3A_389, %swap3A_390] : memref<64x256x128xf32, #tpu.memory_space<vmem>>, vector<1x256x128xf32>
    %swap3A_392 = vector.shape_cast %swap3A_391 : vector<1x256x128xf32> to vector<256x128xf32>
    %swap3A_393 = vector.shape_cast %slice3A_387 : vector<256x128xf32> to vector<1x256x128xf32>
    tpu.vector_store %arg5[%swap3A_388, %swap3A_389, %swap3A_390], %swap3A_393 {strides = array<i32>} : memref<64x256x128xf32, #tpu.memory_space<vmem>>, vector<1x256x128xf32>,
    %slice3A_394 = vector.extract_strided_slice %max3A_17 {offsets = [0, 6912], sizes = [256, 128], strides = [1, 1]} : vector<256x8192xf32> to vector<256x128xf32>
    %swap3A_395 = arith.constant 54 : index
    %swap3A_396 = arith.constant 0 : index
    %swap3A_397 = arith.constant 0 : index
    %swap3A_398 = vector.load %arg5[%swap3A_395, %swap3A_396, %swap3A_397] : memref<64x256x128xf32, #tpu.memory_space<vmem>>, vector<1x256x128xf32>
    %swap3A_399 = vector.shape_cast %swap3A_398 : vector<1x256x128xf32> to vector<256x128xf32>
    %swap3A_400 = vector.shape_cast %slice3A_394 : vector<256x128xf32> to vector<1x256x128xf32>
    tpu.vector_store %arg5[%swap3A_395, %swap3A_396, %swap3A_397], %swap3A_400 {strides = array<i32>} : memref<64x256x128xf32, #tpu.memory_space<vmem>>, vector<1x256x128xf32>,
    %slice3A_401 = vector.extract_strided_slice %max3A_17 {offsets = [0, 7040], sizes = [256, 128], strides = [1, 1]} : vector<256x8192xf32> to vector<256x128xf32>
    %swap3A_402 = arith.constant 55 : index
    %swap3A_403 = arith.constant 0 : index
    %swap3A_404 = arith.constant 0 : index
    %swap3A_405 = vector.load %arg5[%swap3A_402, %swap3A_403, %swap3A_404] : memref<64x256x128xf32, #tpu.memory_space<vmem>>, vector<1x256x128xf32>
    %swap3A_406 = vector.shape_cast %swap3A_405 : vector<1x256x128xf32> to vector<256x128xf32>
    %swap3A_407 = vector.shape_cast %slice3A_401 : vector<256x128xf32> to vector<1x256x128xf32>
    tpu.vector_store %arg5[%swap3A_402, %swap3A_403, %swap3A_404], %swap3A_407 {strides = array<i32>} : memref<64x256x128xf32, #tpu.memory_space<vmem>>, vector<1x256x128xf32>,
    %slice3A_408 = vector.extract_strided_slice %max3A_17 {offsets = [0, 7168], sizes = [256, 128], strides = [1, 1]} : vector<256x8192xf32> to vector<256x128xf32>
    %swap3A_409 = arith.constant 56 : index
    %swap3A_410 = arith.constant 0 : index
    %swap3A_411 = arith.constant 0 : index
    %swap3A_412 = vector.load %arg5[%swap3A_409, %swap3A_410, %swap3A_411] : memref<64x256x128xf32, #tpu.memory_space<vmem>>, vector<1x256x128xf32>
    %swap3A_413 = vector.shape_cast %swap3A_412 : vector<1x256x128xf32> to vector<256x128xf32>
    %swap3A_414 = vector.shape_cast %slice3A_408 : vector<256x128xf32> to vector<1x256x128xf32>
    tpu.vector_store %arg5[%swap3A_409, %swap3A_410, %swap3A_411], %swap3A_414 {strides = array<i32>} : memref<64x256x128xf32, #tpu.memory_space<vmem>>, vector<1x256x128xf32>,
    %slice3A_415 = vector.extract_strided_slice %max3A_17 {offsets = [0, 7296], sizes = [256, 128], strides = [1, 1]} : vector<256x8192xf32> to vector<256x128xf32>
    %swap3A_416 = arith.constant 57 : index
    %swap3A_417 = arith.constant 0 : index
    %swap3A_418 = arith.constant 0 : index
    %swap3A_419 = vector.load %arg5[%swap3A_416, %swap3A_417, %swap3A_418] : memref<64x256x128xf32, #tpu.memory_space<vmem>>, vector<1x256x128xf32>
    %swap3A_420 = vector.shape_cast %swap3A_419 : vector<1x256x128xf32> to vector<256x128xf32>
    %swap3A_421 = vector.shape_cast %slice3A_415 : vector<256x128xf32> to vector<1x256x128xf32>
    tpu.vector_store %arg5[%swap3A_416, %swap3A_417, %swap3A_418], %swap3A_421 {strides = array<i32>} : memref<64x256x128xf32, #tpu.memory_space<vmem>>, vector<1x256x128xf32>,
    %slice3A_422 = vector.extract_strided_slice %max3A_17 {offsets = [0, 7424], sizes = [256, 128], strides = [1, 1]} : vector<256x8192xf32> to vector<256x128xf32>
    %swap3A_423 = arith.constant 58 : index
    %swap3A_424 = arith.constant 0 : index
    %swap3A_425 = arith.constant 0 : index
    %swap3A_426 = vector.load %arg5[%swap3A_423, %swap3A_424, %swap3A_425] : memref<64x256x128xf32, #tpu.memory_space<vmem>>, vector<1x256x128xf32>
    %swap3A_427 = vector.shape_cast %swap3A_426 : vector<1x256x128xf32> to vector<256x128xf32>
    %swap3A_428 = vector.shape_cast %slice3A_422 : vector<256x128xf32> to vector<1x256x128xf32>
    tpu.vector_store %arg5[%swap3A_423, %swap3A_424, %swap3A_425], %swap3A_428 {strides = array<i32>} : memref<64x256x128xf32, #tpu.memory_space<vmem>>, vector<1x256x128xf32>,
    %slice3A_429 = vector.extract_strided_slice %max3A_17 {offsets = [0, 7552], sizes = [256, 128], strides = [1, 1]} : vector<256x8192xf32> to vector<256x128xf32>
    %swap3A_430 = arith.constant 59 : index
    %swap3A_431 = arith.constant 0 : index
    %swap3A_432 = arith.constant 0 : index
    %swap3A_433 = vector.load %arg5[%swap3A_430, %swap3A_431, %swap3A_432] : memref<64x256x128xf32, #tpu.memory_space<vmem>>, vector<1x256x128xf32>
    %swap3A_434 = vector.shape_cast %swap3A_433 : vector<1x256x128xf32> to vector<256x128xf32>
    %swap3A_435 = vector.shape_cast %slice3A_429 : vector<256x128xf32> to vector<1x256x128xf32>
    tpu.vector_store %arg5[%swap3A_430, %swap3A_431, %swap3A_432], %swap3A_435 {strides = array<i32>} : memref<64x256x128xf32, #tpu.memory_space<vmem>>, vector<1x256x128xf32>,
    %slice3A_436 = vector.extract_strided_slice %max3A_17 {offsets = [0, 7680], sizes = [256, 128], strides = [1, 1]} : vector<256x8192xf32> to vector<256x128xf32>
    %swap3A_437 = arith.constant 60 : index
    %swap3A_438 = arith.constant 0 : index
    %swap3A_439 = arith.constant 0 : index
    %swap3A_440 = vector.load %arg5[%swap3A_437, %swap3A_438, %swap3A_439] : memref<64x256x128xf32, #tpu.memory_space<vmem>>, vector<1x256x128xf32>
    %swap3A_441 = vector.shape_cast %swap3A_440 : vector<1x256x128xf32> to vector<256x128xf32>
    %swap3A_442 = vector.shape_cast %slice3A_436 : vector<256x128xf32> to vector<1x256x128xf32>
    tpu.vector_store %arg5[%swap3A_437, %swap3A_438, %swap3A_439], %swap3A_442 {strides = array<i32>} : memref<64x256x128xf32, #tpu.memory_space<vmem>>, vector<1x256x128xf32>,
    %slice3A_443 = vector.extract_strided_slice %max3A_17 {offsets = [0, 7808], sizes = [256, 128], strides = [1, 1]} : vector<256x8192xf32> to vector<256x128xf32>
    %swap3A_444 = arith.constant 61 : index
    %swap3A_445 = arith.constant 0 : index
    %swap3A_446 = arith.constant 0 : index
    %swap3A_447 = vector.load %arg5[%swap3A_444, %swap3A_445, %swap3A_446] : memref<64x256x128xf32, #tpu.memory_space<vmem>>, vector<1x256x128xf32>
    %swap3A_448 = vector.shape_cast %swap3A_447 : vector<1x256x128xf32> to vector<256x128xf32>
    %swap3A_449 = vector.shape_cast %slice3A_443 : vector<256x128xf32> to vector<1x256x128xf32>
    tpu.vector_store %arg5[%swap3A_444, %swap3A_445, %swap3A_446], %swap3A_449 {strides = array<i32>} : memref<64x256x128xf32, #tpu.memory_space<vmem>>, vector<1x256x128xf32>,
    %slice3A_450 = vector.extract_strided_slice %max3A_17 {offsets = [0, 7936], sizes = [256, 128], strides = [1, 1]} : vector<256x8192xf32> to vector<256x128xf32>
    %swap3A_451 = arith.constant 62 : index
    %swap3A_452 = arith.constant 0 : index
    %swap3A_453 = arith.constant 0 : index
    %swap3A_454 = vector.load %arg5[%swap3A_451, %swap3A_452, %swap3A_453] : memref<64x256x128xf32, #tpu.memory_space<vmem>>, vector<1x256x128xf32>
    %swap3A_455 = vector.shape_cast %swap3A_454 : vector<1x256x128xf32> to vector<256x128xf32>
    %swap3A_456 = vector.shape_cast %slice3A_450 : vector<256x128xf32> to vector<1x256x128xf32>
    tpu.vector_store %arg5[%swap3A_451, %swap3A_452, %swap3A_453], %swap3A_456 {strides = array<i32>} : memref<64x256x128xf32, #tpu.memory_space<vmem>>, vector<1x256x128xf32>,
    %slice3A_457 = vector.extract_strided_slice %max3A_17 {offsets = [0, 8064], sizes = [256, 128], strides = [1, 1]} : vector<256x8192xf32> to vector<256x128xf32>
    %swap3A_458 = arith.constant 63 : index
    %swap3A_459 = arith.constant 0 : index
    %swap3A_460 = arith.constant 0 : index
    %swap3A_461 = vector.load %arg5[%swap3A_458, %swap3A_459, %swap3A_460] : memref<64x256x128xf32, #tpu.memory_space<vmem>>, vector<1x256x128xf32>
    %swap3A_462 = vector.shape_cast %swap3A_461 : vector<1x256x128xf32> to vector<256x128xf32>
    %swap3A_463 = vector.shape_cast %slice3A_457 : vector<256x128xf32> to vector<1x256x128xf32>
    tpu.vector_store %arg5[%swap3A_458, %swap3A_459, %swap3A_460], %swap3A_463 {strides = array<i32>} : memref<64x256x128xf32, #tpu.memory_space<vmem>>, vector<1x256x128xf32>,
    %transpose3A = tpu.transpose %max3A_17, [1, 0] : vector<256x8192xf32> -> vector<8192x256xf32>
    %reshape3A = vector.shape_cast %transpose3A : vector<8192x256xf32> to vector<256x32x256xf32>
    %reduce_min3A = arith.constant dense<0x7F800000> : vector<256x256xf32>
    %reduce_min3A_464 = vector.multi_reduction <minimumf>, %reshape3A, %reduce_min3A [1] : vector<256x32x256xf32> to vector<256x256xf32>
    %iota3A = tpu.iota {dimensions = array<i32: 0>} : vector<256x256xi32>
    %iota3A_465 = tpu.iota {dimensions = array<i32: 0>} : vector<20x256xi32>
    %broadcast_in_dim3A = arith.constant 0 : i32
    %broadcast_in_dim3A_466 = vector.broadcast %broadcast_in_dim3A : i32 to vector<20x256xi32>
    %scan3A = arith.constant 0 : i32
    %scan3A_467 = arith.constant 20 : i32
    %scan3A_468 = arith.addi %scan3A, %scan3A_467 : i32
    %scan3A_469 = arith.constant 1 : i32
    %scan3A_470:2 = scf.for %scan3A_476 = %scan3A to %scan3A_468 step %scan3A_469 iter_args(%scan3A_477 = %reduce_min3A_464, %scan3A_478 = %broadcast_in_dim3A_466) -> (vector<256x256xf32>, vector<20x256xi32>)  : i32 {
      %reduce_min3A_479 = arith.constant dense<0x7F800000> : vector<256xf32>
      %reduce_min3A_480 = vector.multi_reduction <minimumf>, %scan3A_477, %reduce_min3A_479 [0] : vector<256x256xf32> to vector<256xf32>
      %broadcast_in_dim3A_481 = vector.shape_cast %reduce_min3A_480 : vector<256xf32> to vector<1x256xf32>
      %eq3A = vector.broadcast %broadcast_in_dim3A_481 : vector<1x256xf32> to vector<256x256xf32>
      %eq3A_482 = arith.cmpf oeq, %scan3A_477, %eq3A : vector<256x256xf32>
      %jit3A = arith.constant 256 : i32
      %broadcast_in_dim3A_483 = vector.broadcast %jit3A : i32 to vector<256x256xi32>
      %select_n3A = arith.select %eq3A_482, %iota3A, %broadcast_in_dim3A_483 : vector<256x256xi1>, vector<256x256xi32>
      %reduce_min3A_484 = arith.constant dense<2147483647> : vector<256xi32>
      %reduce_min3A_485 = vector.multi_reduction <minsi>, %select_n3A, %reduce_min3A_484 [0] : vector<256x256xi32> to vector<256xi32>
      %broadcast_in_dim3A_486 = vector.shape_cast %reduce_min3A_485 : vector<256xi32> to vector<1x256xi32>
      %eq3A_487 = vector.broadcast %scan3A_476 : i32 to vector<20x256xi32>
      %eq3A_488 = arith.cmpi eq, %iota3A_465, %eq3A_487 : vector<20x256xi32>
      %broadcast_in_dim3A_489 = vector.shape_cast %broadcast_in_dim3A_486 : vector<1x256xi32> to vector<1x256xi32>
      %broadcast_in_dim3A_490 = vector.broadcast %broadcast_in_dim3A_489 : vector<1x256xi32> to vector<20x256xi32>
      %select_n3A_491 = arith.select %eq3A_488, %broadcast_in_dim3A_490, %scan3A_478 : vector<20x256xi1>, vector<20x256xi32>
      %eq3A_492 = vector.broadcast %broadcast_in_dim3A_486 : vector<1x256xi32> to vector<256x256xi32>
      %eq3A_493 = arith.cmpi eq, %iota3A, %eq3A_492 : vector<256x256xi32>
      %jit3A_494 = arith.constant 0x7F800000 : f32
      %broadcast_in_dim3A_495 = vector.broadcast %jit3A_494 : f32 to vector<256x256xf32>
      %select_n3A_496 = arith.select %eq3A_493, %broadcast_in_dim3A_495, %scan3A_477 : vector<256x256xi1>, vector<256x256xf32>
      scf.yield %select_n3A_496, %select_n3A_491 : vector<256x256xf32>, vector<20x256xi32>
    }
    %scan3A_471 = arith.constant 20 : i32
    %transpose3A_472 = tpu.transpose %scan3A_470#1, [1, 0] : vector<20x256xi32> -> vector<256x20xi32>
    %swap3A_473 = arith.constant 0 : index
    %swap3A_474 = arith.constant 0 : index
    %swap3A_475 = vector.load %arg6[%swap3A_473, %swap3A_474] : memref<256x20xi32, #tpu.memory_space<vmem>>, vector<256x20xi32>
    tpu.vector_store %arg6[%swap3A_473, %swap3A_474], %transpose3A_472 {strides = array<i32>} : memref<256x20xi32, #tpu.memory_space<vmem>>, vector<256x20xi32>,
    return
  }
  func.func @transform_0(%arg0: i32) -> (i32, i32) {
    %c0_i32 = arith.constant 0 : i32
    %c0_i32_0 = arith.constant 0 : i32
    %c0_i32_1 = arith.constant 0 : i32
    return %c0_i32, %c0_i32_0 : i32, i32
  }
  func.func @transform_1(%arg0: i32) -> (i32, i32) {
    %c0_i32 = arith.constant 0 : i32
    %c0_i32_0 = arith.constant 0 : i32
    return %arg0, %c0_i32 : i32, i32
  }
  func.func @transform_2(%arg0: i32) -> (i32, i32) {
    %c0_i32 = arith.constant 0 : i32
    %c0_i32_0 = arith.constant 0 : i32
    %c0_i32_1 = arith.constant 0 : i32
    return %c0_i32, %c0_i32_0 : i32, i32
  }
  func.func @transform_3(%arg0: i32) -> (i32, i32) {
    %add3A = arith.constant 16 : i32
    %add3A_0 = arith.addi %arg0, %add3A : i32
    %c0_i32 = arith.constant 0 : i32
    %c0_i32_1 = arith.constant 0 : i32
    return %c0_i32, %add3A_0 : i32, i32
  }
  func.func @transform_4(%arg0: i32) -> (i32, i32, i32) {
    %c0_i32 = arith.constant 0 : i32
    %c0_i32_0 = arith.constant 0 : i32
    %c0_i32_1 = arith.constant 0 : i32
    return %c0_i32, %arg0, %c0_i32_0 : i32, i32, i32
  }
  func.func @transform_5(%arg0: i32) -> (i32, i32) {
    %c0_i32 = arith.constant 0 : i32
    %c0_i32_0 = arith.constant 0 : i32
    return %arg0, %c0_i32 : i32, i32
  }
}

module attributes {stable_mosaic.version = 14 : i64} {
  func.func @body(%arg0: i32, %arg1: i32, %arg2: memref<64x2048xf32, #tpu.memory_space<vmem>>, %arg3: memref<2048x64xf32, #tpu.memory_space<vmem>>) attributes {dimension_semantics = [#tpu.dimension_semantics<arbitrary>, #tpu.dimension_semantics<arbitrary>], iteration_bounds = array<i64: 1, 4>, scalar_prefetch = 0 : i64, scratch_operands = 0 : i64, tpu.core_type = #tpu.core_type<tc>, window_params = [{transform_indices = @transform_0, window_bounds = array<i64: 64, 2048>}, {transform_indices = @transform_1, window_bounds = array<i64: 2048, 64>}]} {
    %get3A = arith.constant 0 : index
    %get3A_0 = arith.constant 0 : index
    %get3A_1 = vector.load %arg2[%get3A, %get3A_0] : memref<64x2048xf32, #tpu.memory_space<vmem>>, vector<64x2048xf32>
    %transpose3A = tpu.transpose %get3A_1, [1, 0] : vector<64x2048xf32> -> vector<2048x64xf32>
    %swap3A = arith.constant 0 : index
    %swap3A_2 = arith.constant 0 : index
    %swap3A_3 = vector.load %arg3[%swap3A, %swap3A_2] : memref<2048x64xf32, #tpu.memory_space<vmem>>, vector<2048x64xf32>
    tpu.vector_store %arg3[%swap3A, %swap3A_2], %transpose3A {strides = array<i32>} : memref<2048x64xf32, #tpu.memory_space<vmem>>, vector<2048x64xf32>,
    return
  }
  func.func @transform_0(%arg0: i32, %arg1: i32) -> (i32, i32) {
    %c0_i32 = arith.constant 0 : i32
    return %arg0, %arg1 : i32, i32
  }
  func.func @transform_1(%arg0: i32, %arg1: i32) -> (i32, i32) {
    %c0_i32 = arith.constant 0 : i32
    return %arg1, %arg0 : i32, i32
  }
}

module attributes {stable_mosaic.version = 14 : i64} {
  func.func @_select_body(%arg0: i32, %arg1: memref<256x640xf32, #tpu.memory_space<vmem>>, %arg2: memref<256x20xi32, #tpu.memory_space<vmem>>, %arg3: memref<256x16xi32, #tpu.memory_space<vmem>>) attributes {dimension_semantics = [#tpu.dimension_semantics<arbitrary>], iteration_bounds = array<i64: 16>, scalar_prefetch = 0 : i64, scratch_operands = 0 : i64, tpu.core_type = #tpu.core_type<tc>, window_params = [{transform_indices = @transform_0, window_bounds = array<i64: 256, 640>}, {transform_indices = @transform_1, window_bounds = array<i64: 256, 20>}, {transform_indices = @transform_2, window_bounds = array<i64: 256, 16>}]} {
    %get3A = arith.constant 0 : index
    %get3A_0 = arith.constant 0 : index
    %get3A_1 = vector.load %arg1[%get3A, %get3A_0] : memref<256x640xf32, #tpu.memory_space<vmem>>, vector<256x640xf32>
    %get3A_2 = arith.constant 0 : index
    %get3A_3 = arith.constant 0 : index
    %get3A_4 = vector.load %arg2[%get3A_2, %get3A_3] : memref<256x20xi32, #tpu.memory_space<vmem>>, vector<256x20xi32>
    %iota3A = tpu.iota {dimensions = array<i32: 2>} : vector<256x20x32xi32>
    %broadcast_in_dim3A = vector.shape_cast %get3A_4 : vector<256x20xi32> to vector<256x20x1xi32>
    %mul3A = arith.constant 32 : i32
    %mul3A_5 = vector.broadcast %mul3A : i32 to vector<256x20x1xi32>
    %mul3A_6 = arith.muli %broadcast_in_dim3A, %mul3A_5 : vector<256x20x1xi32>
    %add3A = vector.broadcast %mul3A_6 : vector<256x20x1xi32> to vector<256x20x32xi32>
    %add3A_7 = arith.addi %add3A, %iota3A : vector<256x20x32xi32>
    %reshape3A = vector.shape_cast %add3A_7 : vector<256x20x32xi32> to vector<256x640xi32>
    %iota3A_8 = tpu.iota {dimensions = array<i32: 1>} : vector<256x16xi32>
    %broadcast_in_dim3A_9 = arith.constant 0 : i32
    %broadcast_in_dim3A_10 = vector.broadcast %broadcast_in_dim3A_9 : i32 to vector<256x16xi32>
    %scan3A = arith.constant 0 : i32
    %scan3A_11 = arith.constant 16 : i32
    %scan3A_12 = arith.addi %scan3A, %scan3A_11 : i32
    %scan3A_13 = arith.constant 1 : i32
    %scan3A_14:2 = scf.for %scan3A_18 = %scan3A to %scan3A_12 step %scan3A_13 iter_args(%scan3A_19 = %get3A_1, %scan3A_20 = %broadcast_in_dim3A_10) -> (vector<256x640xf32>, vector<256x16xi32>)  : i32 {
      %reduce_min3A = arith.constant dense<0x7F800000> : vector<256xf32>
      %reduce_min3A_21 = vector.multi_reduction <minimumf>, %scan3A_19, %reduce_min3A [1] : vector<256x640xf32> to vector<256xf32>
      %broadcast_in_dim3A_22 = vector.shape_cast %reduce_min3A_21 : vector<256xf32> to vector<256x1xf32>
      %eq3A = vector.broadcast %broadcast_in_dim3A_22 : vector<256x1xf32> to vector<256x640xf32>
      %eq3A_23 = arith.cmpf oeq, %scan3A_19, %eq3A : vector<256x640xf32>
      %jit3A = arith.constant 8192 : i32
      %broadcast_in_dim3A_24 = vector.broadcast %jit3A : i32 to vector<256x640xi32>
      %select_n3A = arith.select %eq3A_23, %reshape3A, %broadcast_in_dim3A_24 : vector<256x640xi1>, vector<256x640xi32>
      %reduce_min3A_25 = arith.constant dense<2147483647> : vector<256xi32>
      %reduce_min3A_26 = vector.multi_reduction <minsi>, %select_n3A, %reduce_min3A_25 [1] : vector<256x640xi32> to vector<256xi32>
      %broadcast_in_dim3A_27 = vector.shape_cast %reduce_min3A_26 : vector<256xi32> to vector<256x1xi32>
      %eq3A_28 = vector.broadcast %scan3A_18 : i32 to vector<256x16xi32>
      %eq3A_29 = arith.cmpi eq, %iota3A_8, %eq3A_28 : vector<256x16xi32>
      %broadcast_in_dim3A_30 = vector.shape_cast %broadcast_in_dim3A_27 : vector<256x1xi32> to vector<256x1xi32>
      %broadcast_in_dim3A_31 = vector.broadcast %broadcast_in_dim3A_30 : vector<256x1xi32> to vector<256x16xi32>
      %select_n3A_32 = arith.select %eq3A_29, %broadcast_in_dim3A_31, %scan3A_20 : vector<256x16xi1>, vector<256x16xi32>
      %eq3A_33 = vector.broadcast %broadcast_in_dim3A_27 : vector<256x1xi32> to vector<256x640xi32>
      %eq3A_34 = arith.cmpi eq, %reshape3A, %eq3A_33 : vector<256x640xi32>
      %jit3A_35 = arith.constant 0x7F800000 : f32
      %broadcast_in_dim3A_36 = vector.broadcast %jit3A_35 : f32 to vector<256x640xf32>
      %select_n3A_37 = arith.select %eq3A_34, %broadcast_in_dim3A_36, %scan3A_19 : vector<256x640xi1>, vector<256x640xf32>
      scf.yield %select_n3A_37, %select_n3A_32 : vector<256x640xf32>, vector<256x16xi32>
    }
    %scan3A_15 = arith.constant 16 : i32
    %swap3A = arith.constant 0 : index
    %swap3A_16 = arith.constant 0 : index
    %swap3A_17 = vector.load %arg3[%swap3A, %swap3A_16] : memref<256x16xi32, #tpu.memory_space<vmem>>, vector<256x16xi32>
    tpu.vector_store %arg3[%swap3A, %swap3A_16], %scan3A_14#1 {strides = array<i32>} : memref<256x16xi32, #tpu.memory_space<vmem>>, vector<256x16xi32>,
    return
  }
  func.func @transform_0(%arg0: i32) -> (i32, i32) {
    %c0_i32 = arith.constant 0 : i32
    %c0_i32_0 = arith.constant 0 : i32
    return %arg0, %c0_i32 : i32, i32
  }
  func.func @transform_1(%arg0: i32) -> (i32, i32) {
    %c0_i32 = arith.constant 0 : i32
    %c0_i32_0 = arith.constant 0 : i32
    return %arg0, %c0_i32 : i32, i32
  }
  func.func @transform_2(%arg0: i32) -> (i32, i32) {
    %c0_i32 = arith.constant 0 : i32
    %c0_i32_0 = arith.constant 0 : i32
    return %arg0, %c0_i32 : i32, i32
  }
}

module attributes {stable_mosaic.version = 14 : i64} {
  func.func @body(%arg0: i32, %arg1: i32, %arg2: memref<2048x64xf32, #tpu.memory_space<vmem>>, %arg3: memref<64x2048xf32, #tpu.memory_space<vmem>>) attributes {dimension_semantics = [#tpu.dimension_semantics<arbitrary>, #tpu.dimension_semantics<arbitrary>], iteration_bounds = array<i64: 64, 1>, scalar_prefetch = 0 : i64, scratch_operands = 0 : i64, tpu.core_type = #tpu.core_type<tc>, window_params = [{transform_indices = @transform_0, window_bounds = array<i64: 2048, 64>}, {transform_indices = @transform_1, window_bounds = array<i64: 64, 2048>}]} {
    %get3A = arith.constant 0 : index
    %get3A_0 = arith.constant 0 : index
    %get3A_1 = vector.load %arg2[%get3A, %get3A_0] : memref<2048x64xf32, #tpu.memory_space<vmem>>, vector<2048x64xf32>
    %transpose3A = tpu.transpose %get3A_1, [1, 0] : vector<2048x64xf32> -> vector<64x2048xf32>
    %swap3A = arith.constant 0 : index
    %swap3A_2 = arith.constant 0 : index
    %swap3A_3 = vector.load %arg3[%swap3A, %swap3A_2] : memref<64x2048xf32, #tpu.memory_space<vmem>>, vector<64x2048xf32>
    tpu.vector_store %arg3[%swap3A, %swap3A_2], %transpose3A {strides = array<i32>} : memref<64x2048xf32, #tpu.memory_space<vmem>>, vector<64x2048xf32>,
    return
  }
  func.func @transform_0(%arg0: i32, %arg1: i32) -> (i32, i32) {
    %c0_i32 = arith.constant 0 : i32
    return %arg0, %arg1 : i32, i32
  }
  func.func @transform_1(%arg0: i32, %arg1: i32) -> (i32, i32) {
    %c0_i32 = arith.constant 0 : i32
    return %arg1, %arg0 : i32, i32
  }
}

</mosaic_0001>

<sc_bundles>
// kernel: kernel.11.cloned.1.call-start
scs
__scs_entry_jumppad:
0x0: {  	(pc) =	sbr.rel $0x88, $3  }
0x1: {  	(tag) =	ssettag $0x0;
	lr =	simm.s32 $0x1  }
0x2: {  	[smem:$0x3F9F] =	sst lr;
	_ =	strace $0xD0000000  }
0x3: {  	_ = 	snop  }
0x4: {  	_ = 	snop  }
0x5: {  	_ = 	snop  }
0x6: {  	_ = 	snop  }
0x7: {  	_ = 	snop  }
__scs_overlays_trampoline_lowered:
0x8: {  	[smem:$0x3FAE] =	sst s0  }
0x9: {  	[smem:$0x3FAF] =	sst s1  }
0xa: {  	[smem:$0x3FB0] =	sst s2  }
0xb: {  	[smem:$0x3FB1] =	sst s3  }
0xc: {  	[smem:$0x3FB2] =	sst s4  }
0xd: {  	[smem:$0x3FB3] =	sst s5  }
0xe: {  	[smem:$0x3FB4] =	sst s6  }
0xf: {  	[smem:$0x3FB5] =	sst s7  }
0x10: {  	[smem:$0x3FB6] =	sst s8  }
0x11: {  	[smem:$0x3FB7] =	sst s9;
	s0 =	simm.s32 @!p0 $0x0  }
0x12: {  	s1 =	sld [smem:$0x3F9D];
	s0 =	simm.s32 @p0 $0x1  }
0x13: {  	[smem:$0x3FB8] =	sst s0;
	s0 =	simm.s32 @!p1 $0x0  }
0x14: {  	s2 =	sld [smem:$0x3F9C];
	s0 =	simm.s32 @p1 $0x1  }
0x15: {  	[smem:$0x3FB9] =	sst s0;
	s0 =	simm.s32 @!p2 $0x0  }
0x16: {  	s3 =	sld [smem:$0x3FDB];
	s0 =	simm.s32 @p2 $0x1  }
0x17: {  	s4 =	simm.s32 $0x1BF5;
	[smem:$0x3FBB] =	sst s0  }
0x18: {  	s0 =	sld [smem:$0x3F9E];
	_ =	swait.ge [sflag:s4], $0x0  }
0x19: {  	s7 =	sld [smem:$0x3F9F]  }
0x1a: {  	s8 =	sadd.s32 $0xFFFFE003, lr  }
0x1b: {  	s9 =	sadd.s32 $0xFFFFFEF7, lr;
	s5 =	simm.s32 $0xFFFFFFFF;
	p2 =	slt.u32 s8, $0xFFFFF086  }
0x1c: {  	p1 =	slt.u32 s9, $0xF7A;
	s5 =	simm.s32 @!p2 $0x0  }
0x1d: {  	s5 =	simm.s32 @p1 $0x1;
	p0 =	seq.s32 s7, s2  }
0x1e: {  	s7 =	smul.u32 @!p0 $0xF7A, s2;
	p2 =	seq.s32 @!p0 s5, $0x0  }
0x1f: {  	s9 =	smul.u32 $0xF7A, s1;
	s8 =	simm.s32 @!p0 $0x1BF5;
	p2 =	por !p2, p0  }
0x20: {  	[sflag:s8] =	ssyncset.s32 @!p0 $0xFFFFF086;
	s6 =	sadd.s32 @!p0 s3, s7;
	s7 =	simm.s32 @!p0 $0x108  }
0x21: {  	s3 =	sadd.s32 s3, s9;
	s6 =	sadd.s32 @!p0 $0x88, s6;
	s7 =	simm.s32 @p2 $0x1082  }
0x22: {  	[simem:s7], [sflag:s8] =	dma.local @!p0 [hbm:s6], $0xF7A  }
0x23: {  	s9 =	sor.u32 $0xD0000000, s2;
	s6 =	simm.s32 $0x108;
	_ =	swait.ge @!p0 [sflag:s8], $0x0  }
0x24: {  	s3 =	sadd.s32 $0x88, s3;
	s6 =	simm.s32 @!p1 $0x1082;
	[sflag:s4] =	ssyncset.s32 $0xFFFFF086  }
0x25: {  	[simem:s6], [sflag:s4] =	dma.local [hbm:s3], $0xF7A  }
0x26: {  	[smem:$0x3F9F] =	sst s1;
	(tag) =	ssettag s2;
	_ =	strace s9  }
0x27: {  	s1 =	sld [smem:$0x3FAF]  }
0x28: {  	s2 =	sld [smem:$0x3FB0]  }
0x29: {  	s4 =	sld [smem:$0x3FB2]  }
0x2a: {  	p0 =	seq.s32 s5, $0x0;
	s5 =	sld [smem:$0x3FB3]  }
0x2b: {  	s6 =	sld [smem:$0x3FB4]  }
0x2c: {  	s7 =	sld [smem:$0x3FB5]  }
0x2d: {  	s3 =	simm.s32 $0x108;
	s8 =	sld [smem:$0x3FB6]  }
0x2e: {  	s3 =	simm.s32 @!p0 $0x1082;
	s9 =	sld [smem:$0x3FB7]  }
0x2f: {  	lr =	sadd.s32 s0, s3;
	s0 =	sld [smem:$0x3FAE]  }
0x30: {  	s3 =	sld [smem:$0x3FB1]  }
0x31: {  	[smem:$0x3FBA] =	sst s10  }
0x32: {  	s10 =	sld [smem:$0x3FB8];
	_ =	sdelay $0x3  }
0x33: {  	p0 =	seq.s32 s10, $0x1;
	s10 =	sld [smem:$0x3FBA];
	_ =	sdelay $0x3  }
0x34: {  	[smem:$0x3FBA] =	sst s10  }
0x35: {  	s10 =	sld [smem:$0x3FB9];
	_ =	sdelay $0x3  }
0x36: {  	p1 =	seq.s32 s10, $0x1;
	s10 =	sld [smem:$0x3FBA];
	_ =	sdelay $0x3  }
0x37: {  	[smem:$0x3FBA] =	sst s10  }
0x38: {  	s10 =	sld [smem:$0x3FBB]  }
0x39: {  	_ = 	snop;
	(pc) =	sbr.ind lr, $3  }
0x3a: {  	_ = 	snop  }
0x3b: {  	_ = 	snop  }
0x3c: {  	p2 =	seq.s32 s10, $0x1;
	s10 =	sld [smem:$0x3FBA]  }
0x3d: {  	_ =	shalt  }
0x3e: {  	_ =	shalt  }
0x3f: {  	_ =	shalt  }
0x40: {  	_ =	shalt  }
0x41: {  	_ =	shalt  }
0x42: {  	_ =	shalt  }
0x43: {  	_ =	shalt  }
0x44: {  	_ =	shalt  }
0x45: {  	_ =	shalt  }
0x46: {  	_ =	shalt  }
0x47: {  	_ =	shalt  }
0x48: {  	_ =	shalt  }
0x49: {  	_ =	shalt  }
0x4a: {  	_ =	shalt  }
0x4b: {  	_ =	shalt  }
0x4c: {  	_ =	shalt  }
0x4d: {  	_ =	shalt  }
0x4e: {  	_ =	shalt  }
0x4f: {  	_ =	shalt  }
0x50: {  	_ =	shalt  }
0x51: {  	_ =	shalt  }
0x52: {  	_ =	shalt  }
0x53: {  	_ =	shalt  }
0x54: {  	_ =	shalt  }
0x55: {  	_ =	shalt  }
0x56: {  	_ =	shalt  }
0x57: {  	_ =	shalt  }
0x58: {  	_ =	shalt  }
0x59: {  	_ =	shalt  }
0x5a: {  	_ =	shalt  }
0x5b: {  	_ =	shalt  }
0x5c: {  	_ =	shalt  }
0x5d: {  	_ =	shalt  }
0x5e: {  	_ =	shalt  }
0x5f: {  	_ =	shalt  }
0x60: {  	_ =	shalt  }
0x61: {  	_ =	shalt  }
0x62: {  	_ =	shalt  }
0x63: {  	_ =	shalt  }
0x64: {  	_ =	shalt  }
0x65: {  	_ =	shalt  }
0x66: {  	_ =	shalt  }
0x67: {  	_ =	shalt  }
0x68: {  	_ =	shalt  }
0x69: {  	_ =	shalt  }
0x6a: {  	_ =	shalt  }
0x6b: {  	_ =	shalt  }
0x6c: {  	_ =	shalt  }
0x6d: {  	_ =	shalt  }
0x6e: {  	_ =	shalt  }
0x6f: {  	_ =	shalt  }
0x70: {  	_ =	shalt  }
0x71: {  	_ =	shalt  }
0x72: {  	_ =	shalt  }
0x73: {  	_ =	shalt  }
0x74: {  	_ =	shalt  }
0x75: {  	_ =	shalt  }
0x76: {  	_ =	shalt  }
0x77: {  	_ =	shalt  }
0x78: {  	_ =	shalt  }
0x79: {  	_ =	shalt  }
0x7a: {  	_ =	shalt  }
0x7b: {  	_ =	shalt  }
0x7c: {  	_ =	shalt  }
0x7d: {  	_ =	shalt  }
0x7e: {  	_ =	shalt  }
0x7f: {  	_ =	shalt  }
0x80: {  	_ =	shalt  }
0x81: {  	_ =	shalt  }
0x82: {  	_ =	shalt  }
0x83: {  	_ =	shalt  }
0x84: {  	_ =	shalt  }
0x85: {  	_ =	shalt  }
0x86: {  	_ =	shalt  }
0x87: {  	_ =	shalt  }
.Lfunc_end0:
.L_simem_size_0:
called_computation.1_lowered:
.L_overlay_start_0:
0x88: {  	s2 =	sld [smem:$0x3FD9]  }
0x89: {  	s3 =	sld [smem:$0x3FFE];
	_ =	sdelay $0x1  }
0x8a: {  	s1 =	srdreg.scid  }
0x8b: {  	s0 =	sand.u32 $0x1, s1  }
0x8c: {  	s16 =	sshll.u32 s0, $0xA;
	s2 =	sadd.s32 s3, s2  }
0x8d: {  	s2 =	sadd.s32 s2, s16  }
0x8e: {  	[smem:$0x3FC6] =	sst s2  }
0x8f: {  	_ = 	snop  }
0x90: {  	(tm) =	ssettm $0x1  }
0x91: {  	s17 =	sld [smem:$0x3FFB];
	_ =	sdelay $0x3  }
0x92: {  	_ =	strace s17  }
0x93: {  	s2 =	sld [smem:$0x3FFC];
	_ =	sdelay $0x3  }
0x94: {  	_ =	strace s2  }
0x95: {  	s2 =	sld [smem:$0x3FFD];
	_ =	sdelay $0x3  }
0x96: {  	_ =	strace s2  }
0x97: {  	_ =	strace $0x8FFFFFFF  }
0x98: {  	s18 =	sld [smem:$0x3FDB];
	_ =	sdelay $0x1  }
0x99: {  	s19 =	simm.s32 $_scs_section_size  }
0x9a: {  	s4 =	simm.s32 $_size__tile_overlayer_lowered;
	s5 =	simm.s32 $_tile_overlayer_lowered  }
0x9b: {  	s22 =	simm.s32 $0x1BFF;
	s21 =	sshll.u32 s5, $0x1;
	s2 =	sadd.s32 s19, s18  }
0x9c: {  	s6 =	simm.s32 $0x0;
	s20 =	sshll.u32 s4, $0x1;
	s4 =	sadd.s32 s21, s2  }
0x9d: {  	[timem:s6], [sflag:s22] =	dma.local [hbm:s4], s20  }
0x9e: {  	_ =	swait.ge [sflag:s22], s20  }
0x9f: {  	s3 =	ssub.s32 $0x0, s20;
	[sflag:s22] =	ssyncset.done $0x0  }
0xa0: {  	[sflag:s22] =	ssyncadd.s32 s3;
	_ =	sdelay $0x1  }
0xa1: {  	s23 =	simm.s32 $0x1B8B  }
0xa2: {  	_ =	swait.ge [sflag:s23], $0x1  }
0xa3: {  	[sflag:s23] =	ssyncset.done $0x0  }
0xa4: {  	s25 =	simm.s32 $0x1B8E;
	s24 =	sld [smem:$0x3FFE];
	[sflag:s23] =	ssyncadd.s32 $0xFFFFFFFF  }
0xa5: {  	s26 =	simm.s32 $execute0_lowered;
	[smem:$0x3FD2] =	sst s25  }
0xa6: {  	s4 =	sshll.u32 s26, $0x1;
	_ =	strace $0x80000046;
	[dreg:$0x1] =	wrdreg $0xFFFFFFFF  }
0xa7: {  	s28 =	simm.s32 $_size_execute0_lowered;
	s2 =	sadd.s32 s2, s4;
	[dreg:$0x0] =	wrdreg $0x0  }
0xa8: {  	s4 =	sshll.u32 s28, $0x1;
	[dreg:$0x2] =	wrdreg s2  }
0xa9: {  	[dreg:$0x3] =	wrdreg s4  }
0xaa: {  	[dreg:$0x4] =	wrdreg $0xC0  }
0xab: {  	_ =	task [dreg:s6], $0x5FFFF  }
0xac: {  	[dreg:$0x1] =	wrdreg $0xFFFFFFFF  }
0xad: {  	[dreg:$0x0] =	wrdreg $0x60  }
0xae: {  	[dreg:$0x2] =	wrdreg s24  }
0xaf: {  	[dreg:$0x3] =	wrdreg $0x9  }
0xb0: {  	_ =	task.clear_ibuf [dreg:s6], $0x4FFFF;
	_ =	strace $0x90000046  }
0xb1: {  	s29 =	simm.s32 $0x9;
	_ =	strace $0x80000048  }
0xb2: {  	_ =	swait.ge [sflag:s29], $0x1  }
0xb3: {  	[sflag:s29] =	ssyncadd.s32 $0xFFFFFFFF  }
0xb4: {  	_ =	strace $0x90000048  }
0xb5: {  	_ =	sfence  }
0xb6: {  	s30 =	sld [smem:$0x0];
	_ =	sdelay $0x2  }
0xb7: {  	s31 =	sshll.u32 s1, $0xD;
	s1 =	sshrl.u32 s1, $0x2  }
0xb8: {  	s3 =	sand.u32 $0x4000, s31;
	s1 =	sadd.s32 s1, s30  }
0xb9: {  	s0 =	sor.u32 s3, s0;
	s1 =	sshll.u32 s1, $0x11  }
0xba: {  	s0 =	sor.u32 s1, s0  }
0xbb: {  	s0 =	sadd.s32 $0x8F2B, s0  }
0xbc: {  	[sflag:s0] =	ssyncadd.remote.s32 $0x1  }
0xbd: {  	_ =	sfence.sel $0xFFFF  }
0xbe: {  	[dreg:$0x0] =	wrdreg $0xFFFFFFFF;
	(pc) =	sbr.abs _section_cstart, $3  }
0xbf: {  	[dreg:$0x1] =	wrdreg $0xFFFFFFFF  }
0xc0: {  	_ =	task.clear_ibuf [dreg:s6], $0x2FFFF;
	_ =	strace $0x9FFFFFFF  }
0xc1: {  	(tm) =	ssettm $0x7FFFFFFF  }
tec
execute0_lowered:
.L_overlay_start_1:
0x0: {  	(tag) =	ssettag $0x1  }
0x1: {  	s4 =	rddreg [dreg:$0x0]  }
0x2: {  	s0 =	rddreg [dreg:$0x1]  }
0x3: {  	s3 =	srdreg.scid;
	s1 =	stileid.u32;
	s2 =	simm.s32 $0x0  }
0x4: {  	s11 =	simm.s32 $0x0;
	s5 =	sand.u32 $0x1, s3;
	s28 =	sshll.u32 s1, $0x1  }
0x5: {  	[smem:$0x7FF] =	sst s2;
	s7 =	smul.u32 $0x5000, s1;
	s3 =	sor.u32 s5, s28  }
0x6: {  	_ =	strace $0x80000047;
	s8 =	ssub.s32 $0x2, s5;
	s10 =	smul.u32 $0x2800, s5  }
0x7: {  	s6 =	smul.u32 $0xA00, s3;
	s3 =	sadd.s32 $0x2000, s4;
	s9 =	sshrl.u32 s8, $0x1  }
0x8: {  	s30 =	sadd.s32 s7, s4;
	s7 =	simm.s32 $0x2;
	s31 =	ssub.s32 s8, s9  }
0x9: {  	s8 =	simm.s32 $0x80;
	s9 =	simm.s32 $0xA00;
	s6 =	sshrl.u32 s6, $0x3  }
0xa: {  	s5 =	smax.u32 s31, $0x1;
	s29 =	sadd.s32 s6, s4;
	s6 =	sadd.s32 s10, s30  }
0xb: {  	s10 =	simm.s32 $0x1;
	s4 =	sadd.s32 $0x822000, s29;
	s6 =	sadd.s32 $0x824800, s6  }
.LBB2_1:
0xc: {  	[tilespmem:s2], [sflag:$0x2] =	stream.linear.gather [hbm4b:s4+s2], $0xA00, $0x38;
	[tilespmem:$0x1A00] =	vst v63  }
0xd: {  	_ =	swait.ge [sflag:s7], $0xA00  }
0xe: {  	[sflag:s7] =	ssyncset.done $0x0  }
0xf: {  	s12 =	simm.s32 $0x0;
	[sflag:s7] =	ssyncadd.s32 $0xFFFFF600  }
0x10: {  	[tilespmem:s9], [sflag:$0x1] =	stream.indirect.gather [hbm4b:s3+s8], $0x20, s12, s8, $0xb8;
	[tilespmem:$0x1A00] =	vst v63  }
0x11: {  	_ =	swait.ge [sflag:s10], $0x1000  }
0x12: {  	[sflag:s10] =	ssyncset.done $0x0  }
0x13: {  	s31 =	sadd.s32 $0x0, s6;
	[sflag:s10] =	ssyncadd.s32 $0xFFFFF000  }
0x14: {  	[hbm4b:s31+s2] =	stream.linear.scatter [tilespmem:s9], [sflag:$0x2], $0x1000, $0x38;
	[tilespmem:$0x1A00] =	vst v63  }
0x15: {  	_ =	swait.ge [sflag:s7], $0x1000  }
0x16: {  	s13 =	simm.s32 $0x400;
	s12 =	simm.s32 $0x200;
	[sflag:s7] =	ssyncset.done $0x0  }
.LBB2_2:
0x17: {  	s14 =	sshra.s32 s12, $0x2  }
0x18: {  	[sflag:s7] =	ssyncadd.s32 $0xFFFFF000;
	s15 =	smov.u32 s13;
	s16 =	sadd.s32 $0x200, s13  }
0x19: {  	[tilespmem:s9], [sflag:$0x1] =	stream.indirect.gather [hbm4b:s3+s8], $0x20, s14, s8, $0xb8;
	[tilespmem:$0x1A00] =	vst v63  }
0x1a: {  	p0 =	sne.s32 s13, $0x2600;
	_ =	swait.ge [sflag:s10], $0x1000  }
.Ltmp0:
0x1b: {  	[sflag:s10] =	ssyncset.done $0x0;
	(pc) =	sbr.rel @p0 .LBB2_2-.Ltmp0, $4  }
0x1c: {  	s13 =	sadd.s32 s12, s6;
	s12 =	smov.u32 s15;
	[sflag:s10] =	ssyncadd.s32 $0xFFFFF000  }
0x1d: {  	[hbm4b:s13+s2] =	stream.linear.scatter [tilespmem:s9], [sflag:$0x2], $0x1000, $0x38;
	[tilespmem:$0x1A00] =	vst v63  }
0x1e: {  	_ =	swait.ge [sflag:s7], $0x1000  }
0x1f: {  	s13 =	smov.u32 s16;
	[sflag:s7] =	ssyncset.done $0x0  }
0x20: {  	s13 =	sshra.s32 s12, $0x2;
	[sflag:s7] =	ssyncadd.s32 $0xFFFFF000  }
0x21: {  	[tilespmem:s9], [sflag:$0x1] =	stream.indirect.gather [hbm4b:s3+s8], $0x20, s13, s8, $0xb8;
	[tilespmem:$0x1A00] =	vst v63  }
0x22: {  	s11 =	sadd.s32 $0x1, s11;
	_ =	swait.ge [sflag:s10], $0x1000  }
0x23: {  	p0 =	sne.s32 s11, s5;
	[sflag:s10] =	ssyncset.done $0x0  }
.Ltmp1:
0x24: {  	s31 =	sadd.s32 s12, s6;
	[sflag:s10] =	ssyncadd.s32 $0xFFFFF000;
	(pc) =	sbr.rel @p0 .LBB2_1-.Ltmp1, $4  }
0x25: {  	[hbm4b:s31+s2] =	stream.linear.scatter [tilespmem:s9], [sflag:$0x2], $0x1000, $0x38;
	[tilespmem:$0x1A00] =	vst v63  }
0x26: {  	_ =	swait.ge [sflag:s7], $0x1000  }
0x27: {  	[sflag:s7] =	ssyncset.done $0x0  }
0x28: {  	[sflag:s7] =	ssyncadd.s32 $0xFFFFF000  }
0x29: {  	_ =	sfence.sel $0x180000  }
0x2a: {  	[bflag:$0x0] =	sbarrier.arrive $0xFFFF  }
0x2b: {  	p0 =	sne.s32 s1, $0x0;
	_ =	strace $0x90000047  }
0x2c: {  	s0 =	sadd.s32 @!p0 $0x100000, s0;
	[bflag:$0x2] =	sbarrier.arrive $0xFFFF  }
0x2d: {  	[sflag:s0] =	ssyncadd.tile.s32 @!p0 $0x1;
	_ =	shalt  }
.Lfunc_end2:
_tile_overlayer_lowered:
.L_overlay_start_2:
0x2e: {  	(tag) =	ssettag $0x2  }
0x2f: {  	s0 =	rddreg [dreg:$0x0];
	s2 =	stileid.u32  }
0x30: {  	s1 =	rddreg [dreg:$0x1];
	p0 =	sne.s32 s2, $0x0  }
0x31: {  	s3 =	rddreg [dreg:$0x2];
	[bflag:$0x3] =	sbarrier.arrive $0xFFFF;
	s2 =	simm.s32 @!p0 $0x1C02  }
0x32: {  	[timem:s3], [sflag:s2] =	dma.local @!p0 [hbm:s0], s1  }
0x33: {  	s0 =	simm.s32 @!p0 $0x2  }
0x34: {  	_ =	swait.ge @!p0 [sflag:s0], s1  }
0x35: {  	s1 =	ssub.s32 @!p0 $0x0, s1;
	[sflag:s0] =	ssyncset.done @!p0 $0x0  }
0x36: {  	[sflag:s0] =	ssyncadd.s32 @!p0 s1  }
0x37: {  	[bflag:$0x3] =	sbarrier.arrive $0xFFFF  }
0x38: {  	_ =	shalt  }

// kernel: kernel.14.cloned.1.call-start
scs
__scs_entry_jumppad:
0x0: {  	(pc) =	sbr.rel $0x88, $3  }
0x1: {  	(tag) =	ssettag $0x0;
	lr =	simm.s32 $0x1  }
0x2: {  	[smem:$0x3F9F] =	sst lr;
	_ =	strace $0xD0000000  }
0x3: {  	_ = 	snop  }
0x4: {  	_ = 	snop  }
0x5: {  	_ = 	snop  }
0x6: {  	_ = 	snop  }
0x7: {  	_ = 	snop  }
__scs_overlays_trampoline_lowered:
0x8: {  	[smem:$0x3FAE] =	sst s0  }
0x9: {  	[smem:$0x3FAF] =	sst s1  }
0xa: {  	[smem:$0x3FB0] =	sst s2  }
0xb: {  	[smem:$0x3FB1] =	sst s3  }
0xc: {  	[smem:$0x3FB2] =	sst s4  }
0xd: {  	[smem:$0x3FB3] =	sst s5  }
0xe: {  	[smem:$0x3FB4] =	sst s6  }
0xf: {  	[smem:$0x3FB5] =	sst s7  }
0x10: {  	[smem:$0x3FB6] =	sst s8  }
0x11: {  	[smem:$0x3FB7] =	sst s9;
	s0 =	simm.s32 @!p0 $0x0  }
0x12: {  	s1 =	sld [smem:$0x3F9D];
	s0 =	simm.s32 @p0 $0x1  }
0x13: {  	[smem:$0x3FB8] =	sst s0;
	s0 =	simm.s32 @!p1 $0x0  }
0x14: {  	s2 =	sld [smem:$0x3F9C];
	s0 =	simm.s32 @p1 $0x1  }
0x15: {  	[smem:$0x3FB9] =	sst s0;
	s0 =	simm.s32 @!p2 $0x0  }
0x16: {  	s3 =	sld [smem:$0x3FDB];
	s0 =	simm.s32 @p2 $0x1  }
0x17: {  	s4 =	simm.s32 $0x1BF5;
	[smem:$0x3FBB] =	sst s0  }
0x18: {  	s0 =	sld [smem:$0x3F9E];
	_ =	swait.ge [sflag:s4], $0x0  }
0x19: {  	s7 =	sld [smem:$0x3F9F]  }
0x1a: {  	s8 =	sadd.s32 $0xFFFFE003, lr  }
0x1b: {  	s9 =	sadd.s32 $0xFFFFFEF7, lr;
	s5 =	simm.s32 $0xFFFFFFFF;
	p2 =	slt.u32 s8, $0xFFFFF086  }
0x1c: {  	p1 =	slt.u32 s9, $0xF7A;
	s5 =	simm.s32 @!p2 $0x0  }
0x1d: {  	s5 =	simm.s32 @p1 $0x1;
	p0 =	seq.s32 s7, s2  }
0x1e: {  	s7 =	smul.u32 @!p0 $0xF7A, s2;
	p2 =	seq.s32 @!p0 s5, $0x0  }
0x1f: {  	s9 =	smul.u32 $0xF7A, s1;
	s8 =	simm.s32 @!p0 $0x1BF5;
	p2 =	por !p2, p0  }
0x20: {  	[sflag:s8] =	ssyncset.s32 @!p0 $0xFFFFF086;
	s6 =	sadd.s32 @!p0 s3, s7;
	s7 =	simm.s32 @!p0 $0x108  }
0x21: {  	s3 =	sadd.s32 s3, s9;
	s6 =	sadd.s32 @!p0 $0x88, s6;
	s7 =	simm.s32 @p2 $0x1082  }
0x22: {  	[simem:s7], [sflag:s8] =	dma.local @!p0 [hbm:s6], $0xF7A  }
0x23: {  	s9 =	sor.u32 $0xD0000000, s2;
	s6 =	simm.s32 $0x108;
	_ =	swait.ge @!p0 [sflag:s8], $0x0  }
0x24: {  	s3 =	sadd.s32 $0x88, s3;
	s6 =	simm.s32 @!p1 $0x1082;
	[sflag:s4] =	ssyncset.s32 $0xFFFFF086  }
0x25: {  	[simem:s6], [sflag:s4] =	dma.local [hbm:s3], $0xF7A  }
0x26: {  	[smem:$0x3F9F] =	sst s1;
	(tag) =	ssettag s2;
	_ =	strace s9  }
0x27: {  	s1 =	sld [smem:$0x3FAF]  }
0x28: {  	s2 =	sld [smem:$0x3FB0]  }
0x29: {  	s4 =	sld [smem:$0x3FB2]  }
0x2a: {  	p0 =	seq.s32 s5, $0x0;
	s5 =	sld [smem:$0x3FB3]  }
0x2b: {  	s6 =	sld [smem:$0x3FB4]  }
0x2c: {  	s7 =	sld [smem:$0x3FB5]  }
0x2d: {  	s3 =	simm.s32 $0x108;
	s8 =	sld [smem:$0x3FB6]  }
0x2e: {  	s3 =	simm.s32 @!p0 $0x1082;
	s9 =	sld [smem:$0x3FB7]  }
0x2f: {  	lr =	sadd.s32 s0, s3;
	s0 =	sld [smem:$0x3FAE]  }
0x30: {  	s3 =	sld [smem:$0x3FB1]  }
0x31: {  	[smem:$0x3FBA] =	sst s10  }
0x32: {  	s10 =	sld [smem:$0x3FB8];
	_ =	sdelay $0x3  }
0x33: {  	p0 =	seq.s32 s10, $0x1;
	s10 =	sld [smem:$0x3FBA];
	_ =	sdelay $0x3  }
0x34: {  	[smem:$0x3FBA] =	sst s10  }
0x35: {  	s10 =	sld [smem:$0x3FB9];
	_ =	sdelay $0x3  }
0x36: {  	p1 =	seq.s32 s10, $0x1;
	s10 =	sld [smem:$0x3FBA];
	_ =	sdelay $0x3  }
0x37: {  	[smem:$0x3FBA] =	sst s10  }
0x38: {  	s10 =	sld [smem:$0x3FBB]  }
0x39: {  	_ = 	snop;
	(pc) =	sbr.ind lr, $3  }
0x3a: {  	_ = 	snop  }
0x3b: {  	_ = 	snop  }
0x3c: {  	p2 =	seq.s32 s10, $0x1;
	s10 =	sld [smem:$0x3FBA]  }
0x3d: {  	_ =	shalt  }
0x3e: {  	_ =	shalt  }
0x3f: {  	_ =	shalt  }
0x40: {  	_ =	shalt  }
0x41: {  	_ =	shalt  }
0x42: {  	_ =	shalt  }
0x43: {  	_ =	shalt  }
0x44: {  	_ =	shalt  }
0x45: {  	_ =	shalt  }
0x46: {  	_ =	shalt  }
0x47: {  	_ =	shalt  }
0x48: {  	_ =	shalt  }
0x49: {  	_ =	shalt  }
0x4a: {  	_ =	shalt  }
0x4b: {  	_ =	shalt  }
0x4c: {  	_ =	shalt  }
0x4d: {  	_ =	shalt  }
0x4e: {  	_ =	shalt  }
0x4f: {  	_ =	shalt  }
0x50: {  	_ =	shalt  }
0x51: {  	_ =	shalt  }
0x52: {  	_ =	shalt  }
0x53: {  	_ =	shalt  }
0x54: {  	_ =	shalt  }
0x55: {  	_ =	shalt  }
0x56: {  	_ =	shalt  }
0x57: {  	_ =	shalt  }
0x58: {  	_ =	shalt  }
0x59: {  	_ =	shalt  }
0x5a: {  	_ =	shalt  }
0x5b: {  	_ =	shalt  }
0x5c: {  	_ =	shalt  }
0x5d: {  	_ =	shalt  }
0x5e: {  	_ =	shalt  }
0x5f: {  	_ =	shalt  }
0x60: {  	_ =	shalt  }
0x61: {  	_ =	shalt  }
0x62: {  	_ =	shalt  }
0x63: {  	_ =	shalt  }
0x64: {  	_ =	shalt  }
0x65: {  	_ =	shalt  }
0x66: {  	_ =	shalt  }
0x67: {  	_ =	shalt  }
0x68: {  	_ =	shalt  }
0x69: {  	_ =	shalt  }
0x6a: {  	_ =	shalt  }
0x6b: {  	_ =	shalt  }
0x6c: {  	_ =	shalt  }
0x6d: {  	_ =	shalt  }
0x6e: {  	_ =	shalt  }
0x6f: {  	_ =	shalt  }
0x70: {  	_ =	shalt  }
0x71: {  	_ =	shalt  }
0x72: {  	_ =	shalt  }
0x73: {  	_ =	shalt  }
0x74: {  	_ =	shalt  }
0x75: {  	_ =	shalt  }
0x76: {  	_ =	shalt  }
0x77: {  	_ =	shalt  }
0x78: {  	_ =	shalt  }
0x79: {  	_ =	shalt  }
0x7a: {  	_ =	shalt  }
0x7b: {  	_ =	shalt  }
0x7c: {  	_ =	shalt  }
0x7d: {  	_ =	shalt  }
0x7e: {  	_ =	shalt  }
0x7f: {  	_ =	shalt  }
0x80: {  	_ =	shalt  }
0x81: {  	_ =	shalt  }
0x82: {  	_ =	shalt  }
0x83: {  	_ =	shalt  }
0x84: {  	_ =	shalt  }
0x85: {  	_ =	shalt  }
0x86: {  	_ =	shalt  }
0x87: {  	_ =	shalt  }
.Lfunc_end0:
.L_simem_size_0:
called_computation.2_lowered:
.L_overlay_start_0:
0x88: {  	s2 =	sld [smem:$0x3FD9]  }
0x89: {  	s3 =	sld [smem:$0x3FFE];
	_ =	sdelay $0x1  }
0x8a: {  	s1 =	srdreg.scid  }
0x8b: {  	s0 =	sand.u32 $0x1, s1  }
0x8c: {  	s17 =	sshll.u32 s0, $0xA;
	s2 =	sadd.s32 s3, s2  }
0x8d: {  	s2 =	sadd.s32 s2, s17  }
0x8e: {  	[smem:$0x3FC6] =	sst s2  }
0x8f: {  	_ = 	snop  }
0x90: {  	s18 =	sld [smem:$0x3FD0];
	(tm) =	ssettm $0x1  }
0x91: {  	s19 =	sld [smem:$0x3FFB];
	_ =	sdelay $0x3  }
0x92: {  	_ =	strace s19  }
0x93: {  	s2 =	sld [smem:$0x3FFC];
	_ =	sdelay $0x3  }
0x94: {  	_ =	strace s2  }
0x95: {  	s2 =	sld [smem:$0x3FFD];
	_ =	sdelay $0x3  }
0x96: {  	_ =	strace s2  }
0x97: {  	_ =	strace $0x8FFFFFFF  }
0x98: {  	s20 =	sld [smem:$0x3FDB];
	_ =	sdelay $0x1  }
0x99: {  	s4 =	simm.s32 $_scs_section_size  }
0x9a: {  	s5 =	simm.s32 $_size__tile_overlayer_lowered;
	s6 =	simm.s32 $_tile_overlayer_lowered  }
0x9b: {  	s7 =	simm.s32 $0x1BFF;
	s21 =	sshll.u32 s6, $0x1;
	s4 =	sadd.s32 s4, s20  }
0x9c: {  	s22 =	simm.s32 $0x0;
	s5 =	sshll.u32 s5, $0x1;
	s6 =	sadd.s32 s21, s4  }
0x9d: {  	[timem:s22], [sflag:s7] =	dma.local [hbm:s6], s5  }
0x9e: {  	_ =	swait.ge [sflag:s7], s5  }
0x9f: {  	s5 =	ssub.s32 $0x0, s5;
	[sflag:s7] =	ssyncset.done $0x0  }
0xa0: {  	[sflag:s7] =	ssyncadd.s32 s5;
	_ =	sdelay $0x1  }
0xa1: {  	s23 =	simm.s32 $0x1B8B  }
0xa2: {  	_ =	swait.ge [sflag:s23], $0x1  }
0xa3: {  	[sflag:s23] =	ssyncset.done $0x0  }
0xa4: {  	[sflag:s23] =	ssyncadd.s32 $0xFFFFFFFF  }
0xa5: {  	s5 =	sld [smem:$0x0]  }
0xa6: {  	s6 =	sand.u32 $0xFFFFFFFE, s1  }
0xa7: {  	p0 =	sne.s32 s1, s6  }
0xa8: {  	s6 =	sshll.u32 @p0 s6, $0xE  }
0xa9: {  	s6 =	sadd.s32 @p0 $0x11B8D, s6;
	s7 =	sshll.u32 @p0 s5, $0x11  }
0xaa: {  	s6 =	sor.u32 @p0 s7, s6  }
0xab: {  	[sflag:s6] =	ssyncadd.remote.s32 @p0 $0x1;
	_ =	sdelay $0x1  }
0xac: {  	s6 =	simm.s32 @p0 $0x1B8D  }
0xad: {  	_ =	swait.eq @p0 [sflag:s6], $0x1  }
0xae: {  	[sflag:s6] =	ssyncadd.s32 @p0 $0xFFFFFFFF  }
0xaf: {  	s7 =	sshll.u32 @!p0 s1, $0xE  }
0xb0: {  	s7 =	sor.u32 @!p0 $0x4000, s7;
	s6 =	simm.s32 @!p0 $0x1B8D  }
0xb1: {  	s5 =	sshll.u32 @!p0 s5, $0x11;
	s7 =	sadd.s32 @!p0 $0x11B8D, s7;
	_ =	swait.eq @!p0 [sflag:s6], $0x1  }
0xb2: {  	s5 =	sor.u32 @!p0 s5, s7;
	[sflag:s6] =	ssyncadd.s32 @!p0 $0xFFFFFFFF  }
0xb3: {  	s25 =	simm.s32 $0x1B8E;
	s24 =	sld [smem:$0x3FFE];
	[sflag:s5] =	ssyncadd.remote.s32 @!p0 $0x1  }
0xb4: {  	s26 =	simm.s32 $execute0_lowered;
	[smem:$0x3FD2] =	sst s25  }
0xb5: {  	s6 =	sshll.u32 s26, $0x1;
	_ =	strace $0x80000049;
	[dreg:$0x1] =	wrdreg $0xFFFFFFFF  }
0xb6: {  	s28 =	simm.s32 $_size_execute0_lowered;
	s4 =	sadd.s32 s4, s6;
	[dreg:$0x0] =	wrdreg $0x0  }
0xb7: {  	s6 =	sshll.u32 s28, $0x1;
	[dreg:$0x2] =	wrdreg s4  }
0xb8: {  	[dreg:$0x3] =	wrdreg s6  }
0xb9: {  	[dreg:$0x4] =	wrdreg $0xC0  }
0xba: {  	_ =	task [dreg:s22], $0x5FFFF  }
0xbb: {  	[dreg:$0x1] =	wrdreg $0xFFFFFFFF  }
0xbc: {  	[dreg:$0x0] =	wrdreg $0x60  }
0xbd: {  	[dreg:$0x2] =	wrdreg s24  }
0xbe: {  	[dreg:$0x3] =	wrdreg s18  }
0xbf: {  	[dreg:$0x4] =	wrdreg $0xA  }
0xc0: {  	_ =	task.clear_ibuf [dreg:s22], $0x5FFFF;
	_ =	strace $0x90000049  }
0xc1: {  	s29 =	simm.s32 $0xA;
	_ =	strace $0x8000004B  }
0xc2: {  	_ =	swait.ge [sflag:s29], $0x1  }
0xc3: {  	[sflag:s29] =	ssyncadd.s32 $0xFFFFFFFF  }
0xc4: {  	_ =	strace $0x9000004B  }
0xc5: {  	_ =	sfence  }
0xc6: {  	s30 =	sld [smem:$0x0];
	_ =	sdelay $0x2  }
0xc7: {  	s31 =	sshll.u32 s1, $0xD;
	s1 =	sshrl.u32 s1, $0x2  }
0xc8: {  	s4 =	sand.u32 $0x4000, s31;
	s1 =	sadd.s32 s1, s30  }
0xc9: {  	s0 =	sor.u32 s4, s0;
	s1 =	sshll.u32 s1, $0x11  }
0xca: {  	s0 =	sor.u32 s1, s0  }
0xcb: {  	s0 =	sadd.s32 $0x8F2B, s0  }
0xcc: {  	[sflag:s0] =	ssyncadd.remote.s32 $0x1  }
0xcd: {  	_ =	sfence.sel $0xFFFF  }
0xce: {  	[dreg:$0x0] =	wrdreg $0xFFFFFFFF;
	(pc) =	sbr.abs _section_cstart, $3  }
0xcf: {  	[dreg:$0x1] =	wrdreg $0xFFFFFFFF  }
0xd0: {  	_ =	task.clear_ibuf [dreg:s22], $0x2FFFF;
	_ =	strace $0x9FFFFFFF  }
0xd1: {  	(tm) =	ssettm $0x7FFFFFFF  }
tec
execute0_lowered:
.L_overlay_start_1:
0x0: {  	(tag) =	ssettag $0x1  }
0x1: {  	s4 =	rddreg [dreg:$0x0];
	s1 =	srdreg.scid  }
0x2: {  	s0 =	stileid.u32;
	s6 =	rddreg [dreg:$0x1];
	s2 =	simm.s32 $0x0  }
0x3: {  	s11 =	simm.s32 $0x0;
	s5 =	sand.u32 $0x1, s1;
	s1 =	rddreg [dreg:$0x2]  }
0x4: {  	s3 =	sshll.u32 s0, $0x1;
	[smem:$0x7FF] =	sst s2;
	s10 =	smul.u32 $0x5000, s0  }
0x5: {  	s3 =	sor.u32 s5, s3;
	_ =	strace $0x8000004A;
	s31 =	smul.u32 $0x2800, s5  }
0x6: {  	s8 =	ssub.s32 $0x2, s5;
	s7 =	smul.u32 $0xA00, s3;
	s3 =	sadd.s32 $0x412000, s4  }
0x7: {  	s9 =	sshrl.u32 s8, $0x1;
	s6 =	sadd.s32 s10, s6;
	s10 =	simm.s32 $0x1  }
0x8: {  	s30 =	ssub.s32 s8, s9;
	s6 =	sadd.s32 s31, s6;
	s7 =	sshrl.u32 s7, $0x3  }
0x9: {  	s8 =	simm.s32 $0x80;
	s9 =	simm.s32 $0xA00;
	s4 =	sadd.s32 s7, s4  }
0xa: {  	s5 =	smax.u32 s30, $0x1;
	s7 =	simm.s32 $0x2;
	s4 =	sadd.s32 $0x874800, s4  }
.LBB2_1:
0xb: {  	[tilespmem:s2], [sflag:$0x2] =	stream.linear.gather [hbm4b:s4+s2], $0xA00, $0x38;
	[tilespmem:$0x1A00] =	vst v63  }
0xc: {  	_ =	swait.ge [sflag:s7], $0xA00  }
0xd: {  	[sflag:s7] =	ssyncset.done $0x0  }
0xe: {  	s12 =	simm.s32 $0x0;
	[sflag:s7] =	ssyncadd.s32 $0xFFFFF600  }
0xf: {  	[tilespmem:s9], [sflag:$0x1] =	stream.indirect.gather [hbm4b:s3+s8], $0x20, s12, s8, $0xb8;
	[tilespmem:$0x1A00] =	vst v63  }
0x10: {  	_ =	swait.ge [sflag:s10], $0x1000  }
0x11: {  	[sflag:s10] =	ssyncset.done $0x0  }
0x12: {  	s31 =	sadd.s32 $0x0, s6;
	[sflag:s10] =	ssyncadd.s32 $0xFFFFF000  }
0x13: {  	[hbm4b:s31+s2] =	stream.linear.scatter [tilespmem:s9], [sflag:$0x2], $0x1000, $0x38;
	[tilespmem:$0x1A00] =	vst v63  }
0x14: {  	_ =	swait.ge [sflag:s7], $0x1000  }
0x15: {  	s13 =	simm.s32 $0x400;
	s12 =	simm.s32 $0x200;
	[sflag:s7] =	ssyncset.done $0x0  }
.LBB2_2:
0x16: {  	s14 =	sshra.s32 s12, $0x2  }
0x17: {  	[sflag:s7] =	ssyncadd.s32 $0xFFFFF000;
	s15 =	smov.u32 s13;
	s16 =	sadd.s32 $0x200, s13  }
0x18: {  	[tilespmem:s9], [sflag:$0x1] =	stream.indirect.gather [hbm4b:s3+s8], $0x20, s14, s8, $0xb8;
	[tilespmem:$0x1A00] =	vst v63  }
0x19: {  	p0 =	sne.s32 s13, $0x2600;
	_ =	swait.ge [sflag:s10], $0x1000  }
.Ltmp0:
0x1a: {  	[sflag:s10] =	ssyncset.done $0x0;
	(pc) =	sbr.rel @p0 .LBB2_2-.Ltmp0, $4  }
0x1b: {  	s13 =	sadd.s32 s12, s6;
	s12 =	smov.u32 s15;
	[sflag:s10] =	ssyncadd.s32 $0xFFFFF000  }
0x1c: {  	[hbm4b:s13+s2] =	stream.linear.scatter [tilespmem:s9], [sflag:$0x2], $0x1000, $0x38;
	[tilespmem:$0x1A00] =	vst v63  }
0x1d: {  	_ =	swait.ge [sflag:s7], $0x1000  }
0x1e: {  	s13 =	smov.u32 s16;
	[sflag:s7] =	ssyncset.done $0x0  }
0x1f: {  	s13 =	sshra.s32 s12, $0x2;
	[sflag:s7] =	ssyncadd.s32 $0xFFFFF000  }
0x20: {  	[tilespmem:s9], [sflag:$0x1] =	stream.indirect.gather [hbm4b:s3+s8], $0x20, s13, s8, $0xb8;
	[tilespmem:$0x1A00] =	vst v63  }
0x21: {  	s11 =	sadd.s32 $0x1, s11;
	_ =	swait.ge [sflag:s10], $0x1000  }
0x22: {  	p0 =	sne.s32 s11, s5;
	[sflag:s10] =	ssyncset.done $0x0  }
.Ltmp1:
0x23: {  	s31 =	sadd.s32 s12, s6;
	[sflag:s10] =	ssyncadd.s32 $0xFFFFF000;
	(pc) =	sbr.rel @p0 .LBB2_1-.Ltmp1, $4  }
0x24: {  	[hbm4b:s31+s2] =	stream.linear.scatter [tilespmem:s9], [sflag:$0x2], $0x1000, $0x38;
	[tilespmem:$0x1A00] =	vst v63  }
0x25: {  	_ =	swait.ge [sflag:s7], $0x1000  }
0x26: {  	[sflag:s7] =	ssyncset.done $0x0  }
0x27: {  	[sflag:s7] =	ssyncadd.s32 $0xFFFFF000  }
0x28: {  	_ =	sfence.sel $0x180000  }
0x29: {  	[bflag:$0x0] =	sbarrier.arrive $0xFFFF  }
0x2a: {  	p0 =	sne.s32 s0, $0x0;
	_ =	strace $0x9000004A  }
0x2b: {  	s0 =	sadd.s32 @!p0 $0x100000, s1;
	[bflag:$0x2] =	sbarrier.arrive $0xFFFF  }
0x2c: {  	[sflag:s0] =	ssyncadd.tile.s32 @!p0 $0x1;
	_ =	shalt  }
.Lfunc_end2:
_tile_overlayer_lowered:
.L_overlay_start_2:
0x2d: {  	(tag) =	ssettag $0x2  }
0x2e: {  	s0 =	rddreg [dreg:$0x0];
	s2 =	stileid.u32  }
0x2f: {  	s1 =	rddreg [dreg:$0x1];
	p0 =	sne.s32 s2, $0x0  }
0x30: {  	s3 =	rddreg [dreg:$0x2];
	[bflag:$0x3] =	sbarrier.arrive $0xFFFF;
	s2 =	simm.s32 @!p0 $0x1C02  }
0x31: {  	[timem:s3], [sflag:s2] =	dma.local @!p0 [hbm:s0], s1  }
0x32: {  	s0 =	simm.s32 @!p0 $0x2  }
0x33: {  	_ =	swait.ge @!p0 [sflag:s0], s1  }
0x34: {  	s1 =	ssub.s32 @!p0 $0x0, s1;
	[sflag:s0] =	ssyncset.done @!p0 $0x0  }
0x35: {  	[sflag:s0] =	ssyncadd.s32 @!p0 s1  }
0x36: {  	[bflag:$0x3] =	sbarrier.arrive $0xFFFF  }
0x37: {  	_ =	shalt  }

// kernel: kernel.17.cloned.1.call-start
scs
__scs_entry_jumppad:
0x0: {  	(pc) =	sbr.rel $0x88, $3  }
0x1: {  	(tag) =	ssettag $0x0;
	lr =	simm.s32 $0x1  }
0x2: {  	[smem:$0x3F9F] =	sst lr;
	_ =	strace $0xD0000000  }
0x3: {  	_ = 	snop  }
0x4: {  	_ = 	snop  }
0x5: {  	_ = 	snop  }
0x6: {  	_ = 	snop  }
0x7: {  	_ = 	snop  }
__scs_overlays_trampoline_lowered:
0x8: {  	[smem:$0x3FAE] =	sst s0  }
0x9: {  	[smem:$0x3FAF] =	sst s1  }
0xa: {  	[smem:$0x3FB0] =	sst s2  }
0xb: {  	[smem:$0x3FB1] =	sst s3  }
0xc: {  	[smem:$0x3FB2] =	sst s4  }
0xd: {  	[smem:$0x3FB3] =	sst s5  }
0xe: {  	[smem:$0x3FB4] =	sst s6  }
0xf: {  	[smem:$0x3FB5] =	sst s7  }
0x10: {  	[smem:$0x3FB6] =	sst s8  }
0x11: {  	[smem:$0x3FB7] =	sst s9;
	s0 =	simm.s32 @!p0 $0x0  }
0x12: {  	s1 =	sld [smem:$0x3F9D];
	s0 =	simm.s32 @p0 $0x1  }
0x13: {  	[smem:$0x3FB8] =	sst s0;
	s0 =	simm.s32 @!p1 $0x0  }
0x14: {  	s2 =	sld [smem:$0x3F9C];
	s0 =	simm.s32 @p1 $0x1  }
0x15: {  	[smem:$0x3FB9] =	sst s0;
	s0 =	simm.s32 @!p2 $0x0  }
0x16: {  	s3 =	sld [smem:$0x3FDB];
	s0 =	simm.s32 @p2 $0x1  }
0x17: {  	s4 =	simm.s32 $0x1BF5;
	[smem:$0x3FBB] =	sst s0  }
0x18: {  	s0 =	sld [smem:$0x3F9E];
	_ =	swait.ge [sflag:s4], $0x0  }
0x19: {  	s7 =	sld [smem:$0x3F9F]  }
0x1a: {  	s8 =	sadd.s32 $0xFFFFE003, lr  }
0x1b: {  	s9 =	sadd.s32 $0xFFFFFEF7, lr;
	s5 =	simm.s32 $0xFFFFFFFF;
	p2 =	slt.u32 s8, $0xFFFFF086  }
0x1c: {  	p1 =	slt.u32 s9, $0xF7A;
	s5 =	simm.s32 @!p2 $0x0  }
0x1d: {  	s5 =	simm.s32 @p1 $0x1;
	p0 =	seq.s32 s7, s2  }
0x1e: {  	s7 =	smul.u32 @!p0 $0xF7A, s2;
	p2 =	seq.s32 @!p0 s5, $0x0  }
0x1f: {  	s9 =	smul.u32 $0xF7A, s1;
	s8 =	simm.s32 @!p0 $0x1BF5;
	p2 =	por !p2, p0  }
0x20: {  	[sflag:s8] =	ssyncset.s32 @!p0 $0xFFFFF086;
	s6 =	sadd.s32 @!p0 s3, s7;
	s7 =	simm.s32 @!p0 $0x108  }
0x21: {  	s3 =	sadd.s32 s3, s9;
	s6 =	sadd.s32 @!p0 $0x88, s6;
	s7 =	simm.s32 @p2 $0x1082  }
0x22: {  	[simem:s7], [sflag:s8] =	dma.local @!p0 [hbm:s6], $0xF7A  }
0x23: {  	s9 =	sor.u32 $0xD0000000, s2;
	s6 =	simm.s32 $0x108;
	_ =	swait.ge @!p0 [sflag:s8], $0x0  }
0x24: {  	s3 =	sadd.s32 $0x88, s3;
	s6 =	simm.s32 @!p1 $0x1082;
	[sflag:s4] =	ssyncset.s32 $0xFFFFF086  }
0x25: {  	[simem:s6], [sflag:s4] =	dma.local [hbm:s3], $0xF7A  }
0x26: {  	[smem:$0x3F9F] =	sst s1;
	(tag) =	ssettag s2;
	_ =	strace s9  }
0x27: {  	s1 =	sld [smem:$0x3FAF]  }
0x28: {  	s2 =	sld [smem:$0x3FB0]  }
0x29: {  	s4 =	sld [smem:$0x3FB2]  }
0x2a: {  	p0 =	seq.s32 s5, $0x0;
	s5 =	sld [smem:$0x3FB3]  }
0x2b: {  	s6 =	sld [smem:$0x3FB4]  }
0x2c: {  	s7 =	sld [smem:$0x3FB5]  }
0x2d: {  	s3 =	simm.s32 $0x108;
	s8 =	sld [smem:$0x3FB6]  }
0x2e: {  	s3 =	simm.s32 @!p0 $0x1082;
	s9 =	sld [smem:$0x3FB7]  }
0x2f: {  	lr =	sadd.s32 s0, s3;
	s0 =	sld [smem:$0x3FAE]  }
0x30: {  	s3 =	sld [smem:$0x3FB1]  }
0x31: {  	[smem:$0x3FBA] =	sst s10  }
0x32: {  	s10 =	sld [smem:$0x3FB8];
	_ =	sdelay $0x3  }
0x33: {  	p0 =	seq.s32 s10, $0x1;
	s10 =	sld [smem:$0x3FBA];
	_ =	sdelay $0x3  }
0x34: {  	[smem:$0x3FBA] =	sst s10  }
0x35: {  	s10 =	sld [smem:$0x3FB9];
	_ =	sdelay $0x3  }
0x36: {  	p1 =	seq.s32 s10, $0x1;
	s10 =	sld [smem:$0x3FBA];
	_ =	sdelay $0x3  }
0x37: {  	[smem:$0x3FBA] =	sst s10  }
0x38: {  	s10 =	sld [smem:$0x3FBB]  }
0x39: {  	_ = 	snop;
	(pc) =	sbr.ind lr, $3  }
0x3a: {  	_ = 	snop  }
0x3b: {  	_ = 	snop  }
0x3c: {  	p2 =	seq.s32 s10, $0x1;
	s10 =	sld [smem:$0x3FBA]  }
0x3d: {  	_ =	shalt  }
0x3e: {  	_ =	shalt  }
0x3f: {  	_ =	shalt  }
0x40: {  	_ =	shalt  }
0x41: {  	_ =	shalt  }
0x42: {  	_ =	shalt  }
0x43: {  	_ =	shalt  }
0x44: {  	_ =	shalt  }
0x45: {  	_ =	shalt  }
0x46: {  	_ =	shalt  }
0x47: {  	_ =	shalt  }
0x48: {  	_ =	shalt  }
0x49: {  	_ =	shalt  }
0x4a: {  	_ =	shalt  }
0x4b: {  	_ =	shalt  }
0x4c: {  	_ =	shalt  }
0x4d: {  	_ =	shalt  }
0x4e: {  	_ =	shalt  }
0x4f: {  	_ =	shalt  }
0x50: {  	_ =	shalt  }
0x51: {  	_ =	shalt  }
0x52: {  	_ =	shalt  }
0x53: {  	_ =	shalt  }
0x54: {  	_ =	shalt  }
0x55: {  	_ =	shalt  }
0x56: {  	_ =	shalt  }
0x57: {  	_ =	shalt  }
0x58: {  	_ =	shalt  }
0x59: {  	_ =	shalt  }
0x5a: {  	_ =	shalt  }
0x5b: {  	_ =	shalt  }
0x5c: {  	_ =	shalt  }
0x5d: {  	_ =	shalt  }
0x5e: {  	_ =	shalt  }
0x5f: {  	_ =	shalt  }
0x60: {  	_ =	shalt  }
0x61: {  	_ =	shalt  }
0x62: {  	_ =	shalt  }
0x63: {  	_ =	shalt  }
0x64: {  	_ =	shalt  }
0x65: {  	_ =	shalt  }
0x66: {  	_ =	shalt  }
0x67: {  	_ =	shalt  }
0x68: {  	_ =	shalt  }
0x69: {  	_ =	shalt  }
0x6a: {  	_ =	shalt  }
0x6b: {  	_ =	shalt  }
0x6c: {  	_ =	shalt  }
0x6d: {  	_ =	shalt  }
0x6e: {  	_ =	shalt  }
0x6f: {  	_ =	shalt  }
0x70: {  	_ =	shalt  }
0x71: {  	_ =	shalt  }
0x72: {  	_ =	shalt  }
0x73: {  	_ =	shalt  }
0x74: {  	_ =	shalt  }
0x75: {  	_ =	shalt  }
0x76: {  	_ =	shalt  }
0x77: {  	_ =	shalt  }
0x78: {  	_ =	shalt  }
0x79: {  	_ =	shalt  }
0x7a: {  	_ =	shalt  }
0x7b: {  	_ =	shalt  }
0x7c: {  	_ =	shalt  }
0x7d: {  	_ =	shalt  }
0x7e: {  	_ =	shalt  }
0x7f: {  	_ =	shalt  }
0x80: {  	_ =	shalt  }
0x81: {  	_ =	shalt  }
0x82: {  	_ =	shalt  }
0x83: {  	_ =	shalt  }
0x84: {  	_ =	shalt  }
0x85: {  	_ =	shalt  }
0x86: {  	_ =	shalt  }
0x87: {  	_ =	shalt  }
.Lfunc_end0:
.L_simem_size_0:
called_computation.3_lowered:
.L_overlay_start_0:
0x88: {  	s2 =	sld [smem:$0x3FD9]  }
0x89: {  	s3 =	sld [smem:$0x3FFE];
	_ =	sdelay $0x1  }
0x8a: {  	s1 =	srdreg.scid  }
0x8b: {  	s0 =	sand.u32 $0x1, s1  }
0x8c: {  	s17 =	sshll.u32 s0, $0xA;
	s2 =	sadd.s32 s3, s2  }
0x8d: {  	s2 =	sadd.s32 s2, s17  }
0x8e: {  	[smem:$0x3FC6] =	sst s2  }
0x8f: {  	_ = 	snop  }
0x90: {  	s2 =	sld [smem:$0x3FD0];
	(tm) =	ssettm $0x1  }
0x91: {  	s18 =	sld [smem:$0x3FFB];
	_ =	sdelay $0x3  }
0x92: {  	_ =	strace s18  }
0x93: {  	s3 =	sld [smem:$0x3FFC];
	_ =	sdelay $0x3  }
0x94: {  	_ =	strace s3  }
0x95: {  	s3 =	sld [smem:$0x3FFD];
	_ =	sdelay $0x3  }
0x96: {  	_ =	strace s3  }
0x97: {  	_ =	strace $0x8FFFFFFF  }
0x98: {  	s19 =	sld [smem:$0x3FDB];
	_ =	sdelay $0x1  }
0x99: {  	s4 =	simm.s32 $_scs_section_size  }
0x9a: {  	s5 =	simm.s32 $_size__tile_overlayer_lowered;
	s6 =	simm.s32 $_tile_overlayer_lowered  }
0x9b: {  	s22 =	simm.s32 $0x1BFF;
	s21 =	sshll.u32 s6, $0x1;
	s3 =	sadd.s32 s4, s19  }
0x9c: {  	s7 =	simm.s32 $0x0;
	s20 =	sshll.u32 s5, $0x1;
	s5 =	sadd.s32 s21, s3  }
0x9d: {  	[timem:s7], [sflag:s22] =	dma.local [hbm:s5], s20  }
0x9e: {  	_ =	swait.ge [sflag:s22], s20  }
0x9f: {  	s4 =	ssub.s32 $0x0, s20;
	[sflag:s22] =	ssyncset.done $0x0  }
0xa0: {  	[sflag:s22] =	ssyncadd.s32 s4;
	_ =	sdelay $0x1  }
0xa1: {  	s23 =	simm.s32 $0x1B8B  }
0xa2: {  	_ =	swait.ge [sflag:s23], $0x1  }
0xa3: {  	[sflag:s23] =	ssyncset.done $0x0  }
0xa4: {  	s25 =	simm.s32 $0x1B8E;
	s24 =	sld [smem:$0x3FFE];
	[sflag:s23] =	ssyncadd.s32 $0xFFFFFFFF  }
0xa5: {  	s26 =	simm.s32 $execute0_lowered;
	[smem:$0x3FD2] =	sst s25  }
0xa6: {  	s5 =	sshll.u32 s26, $0x1;
	_ =	strace $0x8000004C;
	[dreg:$0x1] =	wrdreg $0xFFFFFFFF  }
0xa7: {  	s28 =	simm.s32 $_size_execute0_lowered;
	s3 =	sadd.s32 s3, s5;
	[dreg:$0x0] =	wrdreg $0x0  }
0xa8: {  	s5 =	sshll.u32 s28, $0x1;
	[dreg:$0x2] =	wrdreg s3  }
0xa9: {  	[dreg:$0x3] =	wrdreg s5  }
0xaa: {  	[dreg:$0x4] =	wrdreg $0xC0  }
0xab: {  	_ =	task [dreg:s7], $0x5FFFF  }
0xac: {  	[dreg:$0x1] =	wrdreg $0xFFFFFFFF  }
0xad: {  	[dreg:$0x0] =	wrdreg $0x60  }
0xae: {  	[dreg:$0x2] =	wrdreg s24  }
0xaf: {  	[dreg:$0x3] =	wrdreg s2  }
0xb0: {  	[dreg:$0x4] =	wrdreg $0x9  }
0xb1: {  	_ =	task.clear_ibuf [dreg:s7], $0x5FFFF;
	_ =	strace $0x9000004C  }
0xb2: {  	s29 =	simm.s32 $0x9;
	_ =	strace $0x8000004E  }
0xb3: {  	_ =	swait.ge [sflag:s29], $0x1  }
0xb4: {  	[sflag:s29] =	ssyncadd.s32 $0xFFFFFFFF  }
0xb5: {  	_ =	strace $0x9000004E  }
0xb6: {  	_ =	sfence  }
0xb7: {  	s30 =	sld [smem:$0x0];
	_ =	sdelay $0x2  }
0xb8: {  	s31 =	sshll.u32 s1, $0xD;
	s1 =	sshrl.u32 s1, $0x2  }
0xb9: {  	s3 =	sand.u32 $0x4000, s31;
	s1 =	sadd.s32 s1, s30  }
0xba: {  	s0 =	sor.u32 s3, s0;
	s1 =	sshll.u32 s1, $0x11  }
0xbb: {  	s0 =	sor.u32 s1, s0  }
0xbc: {  	s0 =	sadd.s32 $0x8F2B, s0  }
0xbd: {  	[sflag:s0] =	ssyncadd.remote.s32 $0x1  }
0xbe: {  	_ =	sfence.sel $0xFFFF  }
0xbf: {  	[dreg:$0x0] =	wrdreg $0xFFFFFFFF;
	(pc) =	sbr.abs _section_cstart, $3  }
0xc0: {  	[dreg:$0x1] =	wrdreg $0xFFFFFFFF  }
0xc1: {  	_ =	task.clear_ibuf [dreg:s7], $0x2FFFF;
	_ =	strace $0x9FFFFFFF  }
0xc2: {  	(tm) =	ssettm $0x7FFFFFFF  }
0xc3: {  	_ =	shalt  }
tec
execute0_lowered:
.L_overlay_start_1:
0x0: {  	(tag) =	ssettag $0x1  }
0x1: {  	s4 =	rddreg [dreg:$0x0]  }
0x2: {  	s6 =	rddreg [dreg:$0x1];
	s2 =	srdreg.scid  }
0x3: {  	s0 =	rddreg [dreg:$0x2];
	s1 =	stileid.u32  }
0x4: {  	s9 =	simm.s32 $0x1000;
	s10 =	simm.s32 $0x1;
	s11 =	simm.s32 $0x0  }
0x5: {  	s7 =	sand.u32 $0x1, s2;
	s2 =	simm.s32 $0x0;
	s3 =	sshll.u32 s1, $0xD  }
0x6: {  	s31 =	sshll.u32 s1, $0x10;
	s5 =	sshll.u32 s7, $0xC;
	[smem:$0x7FF] =	sst s2  }
0x7: {  	s8 =	ssub.s32 $0x2, s7;
	s6 =	sadd.s32 s31, s6;
	s7 =	sshll.u32 s7, $0xF  }
0x8: {  	s3 =	sor.u32 s5, s3;
	_ =	strace $0x8000004D;
	s30 =	sshrl.u32 s8, $0x1  }
0x9: {  	s6 =	sadd.s32 s7, s6;
	s7 =	simm.s32 $0x2;
	s5 =	sshrl.u32 s3, $0x3  }
0xa: {  	s3 =	sadd.s32 $0x877000, s4;
	s4 =	sadd.s32 s5, s4;
	s5 =	ssub.s32 s8, s30  }
0xb: {  	s8 =	simm.s32 $0x80;
	s4 =	sadd.s32 $0x2000, s4;
	s5 =	smax.u32 s5, $0x1  }
.LBB2_1:
0xc: {  	[tilespmem:s2], [sflag:$0x2] =	stream.linear.gather [hbm4b:s4+s2], $0x1000, $0x38;
	[tilespmem:$0x3000] =	vst v63  }
0xd: {  	_ =	swait.ge [sflag:s7], $0x1000  }
0xe: {  	[sflag:s7] =	ssyncset.done $0x0  }
0xf: {  	s12 =	simm.s32 $0x0;
	[sflag:s7] =	ssyncadd.s32 $0xFFFFF000  }
0x10: {  	[tilespmem:s9], [sflag:$0x1] =	stream.indirect.gather [hbm4b:s3+s8], $0x40, s12, s8, $0xb8;
	[tilespmem:$0x3000] =	vst v63  }
0x11: {  	_ =	swait.ge [sflag:s10], $0x2000  }
0x12: {  	[sflag:s10] =	ssyncset.done $0x0  }
0x13: {  	[sflag:s10] =	ssyncadd.s32 $0xFFFFE000  }
0x14: {  	[hbm4b:s6+s2] =	stream.linear.scatter [tilespmem:s9], [sflag:$0x2], $0x2000, $0x38;
	[tilespmem:$0x3000] =	vst v63  }
0x15: {  	s13 =	simm.s32 $0x200;
	_ =	swait.ge [sflag:s7], $0x2000  }
0x16: {  	s14 =	simm.s32 $0x400;
	s12 =	sadd.s32 $0x400, s6;
	[sflag:s7] =	ssyncset.done $0x0  }
.LBB2_2:
0x17: {  	s15 =	sshra.s32 s13, $0x2  }
0x18: {  	[sflag:s7] =	ssyncadd.s32 $0xFFFFE000;
	s13 =	smov.u32 s14;
	s16 =	sadd.s32 $0x200, s14  }
0x19: {  	[tilespmem:s9], [sflag:$0x1] =	stream.indirect.gather [hbm4b:s3+s8], $0x40, s15, s8, $0xb8;
	[tilespmem:$0x3000] =	vst v63  }
0x1a: {  	p0 =	sne.s32 s14, $0x3E00;
	_ =	swait.ge [sflag:s10], $0x2000  }
.Ltmp0:
0x1b: {  	[sflag:s10] =	ssyncset.done $0x0;
	(pc) =	sbr.rel @p0 .LBB2_2-.Ltmp0, $4  }
0x1c: {  	[sflag:s10] =	ssyncadd.s32 $0xFFFFE000  }
0x1d: {  	[hbm4b:s12+s2] =	stream.linear.scatter [tilespmem:s9], [sflag:$0x2], $0x2000, $0x38;
	[tilespmem:$0x3000] =	vst v63  }
0x1e: {  	_ =	swait.ge [sflag:s7], $0x2000  }
0x1f: {  	s14 =	smov.u32 s16;
	s12 =	sadd.s32 $0x400, s12;
	[sflag:s7] =	ssyncset.done $0x0  }
0x20: {  	s13 =	sshra.s32 s13, $0x2;
	[sflag:s7] =	ssyncadd.s32 $0xFFFFE000  }
0x21: {  	[tilespmem:s9], [sflag:$0x1] =	stream.indirect.gather [hbm4b:s3+s8], $0x40, s13, s8, $0xb8;
	[tilespmem:$0x3000] =	vst v63  }
0x22: {  	s11 =	sadd.s32 $0x1, s11;
	_ =	swait.ge [sflag:s10], $0x2000  }
0x23: {  	p0 =	sne.s32 s11, s5;
	[sflag:s10] =	ssyncset.done $0x0  }
.Ltmp1:
0x24: {  	[sflag:s10] =	ssyncadd.s32 $0xFFFFE000;
	(pc) =	sbr.rel @p0 .LBB2_1-.Ltmp1, $4  }
0x25: {  	[hbm4b:s12+s2] =	stream.linear.scatter [tilespmem:s9], [sflag:$0x2], $0x2000, $0x38;
	[tilespmem:$0x3000] =	vst v63  }
0x26: {  	_ =	swait.ge [sflag:s7], $0x2000  }
0x27: {  	[sflag:s7] =	ssyncset.done $0x0  }
0x28: {  	[sflag:s7] =	ssyncadd.s32 $0xFFFFE000  }
0x29: {  	_ =	sfence.sel $0x180000  }
0x2a: {  	[bflag:$0x0] =	sbarrier.arrive $0xFFFF  }
0x2b: {  	p0 =	sne.s32 s1, $0x0;
	_ =	strace $0x9000004D  }
0x2c: {  	s0 =	sadd.s32 @!p0 $0x100000, s0;
	[bflag:$0x2] =	sbarrier.arrive $0xFFFF  }
0x2d: {  	[sflag:s0] =	ssyncadd.tile.s32 @!p0 $0x1;
	_ =	shalt  }
.Lfunc_end2:
_tile_overlayer_lowered:
.L_overlay_start_2:
0x2e: {  	(tag) =	ssettag $0x2  }
0x2f: {  	s0 =	rddreg [dreg:$0x0];
	s2 =	stileid.u32  }
0x30: {  	s1 =	rddreg [dreg:$0x1];
	p0 =	sne.s32 s2, $0x0  }
0x31: {  	s3 =	rddreg [dreg:$0x2];
	[bflag:$0x3] =	sbarrier.arrive $0xFFFF;
	s2 =	simm.s32 @!p0 $0x1C02  }
0x32: {  	[timem:s3], [sflag:s2] =	dma.local @!p0 [hbm:s0], s1  }
0x33: {  	s0 =	simm.s32 @!p0 $0x2  }
0x34: {  	_ =	swait.ge @!p0 [sflag:s0], s1  }
0x35: {  	s1 =	ssub.s32 @!p0 $0x0, s1;
	[sflag:s0] =	ssyncset.done @!p0 $0x0  }
0x36: {  	[sflag:s0] =	ssyncadd.s32 @!p0 s1  }
0x37: {  	[bflag:$0x3] =	sbarrier.arrive $0xFFFF  }
0x38: {  	_ =	shalt  }

// kernel: sparse-core-data-format-call.cloned.1.call-start
scs
called_computation_lowered:
.L_overlay_start_0:
0x0: {  	s2 =	sld [smem:$0x3FD9]  }
0x1: {  	s3 =	sld [smem:$0x3FFE];
	_ =	sdelay $0x1  }
0x2: {  	s1 =	srdreg.scid  }
0x3: {  	s0 =	sand.u32 $0x1, s1  }
0x4: {  	s18 =	sshll.u32 s0, $0xA;
	s2 =	sadd.s32 s3, s2  }
0x5: {  	s2 =	sadd.s32 s2, s18  }
0x6: {  	[smem:$0x3FC6] =	sst s2  }
0x7: {  	_ = 	snop  }
0x8: {  	s2 =	sld [smem:$0x3FD0];
	(tm) =	ssettm $0x1  }
0x9: {  	s19 =	sld [smem:$0x3FFB];
	_ =	sdelay $0x3  }
0xa: {  	_ =	strace s19  }
0xb: {  	s3 =	sld [smem:$0x3FFC];
	_ =	sdelay $0x3  }
0xc: {  	_ =	strace s3  }
0xd: {  	s3 =	sld [smem:$0x3FFD];
	_ =	sdelay $0x3  }
0xe: {  	_ =	strace s3  }
0xf: {  	_ =	strace $0x8FFFFFFF  }
0x10: {  	s20 =	sld [smem:$0x3FDB];
	_ =	sdelay $0x1  }
0x11: {  	s4 =	simm.s32 $_scs_section_size  }
0x12: {  	s5 =	simm.s32 $_size__tile_overlayer_lowered;
	s6 =	simm.s32 $_tile_overlayer_lowered  }
0x13: {  	s23 =	simm.s32 $0x1BFF;
	s22 =	sshll.u32 s6, $0x1;
	s3 =	sadd.s32 s4, s20  }
0x14: {  	s7 =	simm.s32 $0x0;
	s21 =	sshll.u32 s5, $0x1;
	s5 =	sadd.s32 s22, s3  }
0x15: {  	[timem:s7], [sflag:s23] =	dma.local [hbm:s5], s21  }
0x16: {  	_ =	swait.ge [sflag:s23], s21  }
0x17: {  	s4 =	ssub.s32 $0x0, s21;
	[sflag:s23] =	ssyncset.done $0x0  }
0x18: {  	[sflag:s23] =	ssyncadd.s32 s4;
	_ =	sdelay $0x1  }
0x19: {  	s24 =	simm.s32 $0x1B8B  }
0x1a: {  	_ =	swait.ge [sflag:s24], $0x1  }
0x1b: {  	[sflag:s24] =	ssyncset.done $0x0  }
0x1c: {  	s26 =	simm.s32 $0x1B8E;
	s25 =	sld [smem:$0x3FFE];
	[sflag:s24] =	ssyncadd.s32 $0xFFFFFFFF  }
0x1d: {  	s27 =	simm.s32 $execute0_lowered;
	[smem:$0x3FD2] =	sst s26  }
0x1e: {  	s5 =	sshll.u32 s27, $0x1;
	_ =	strace $0x8000004F;
	[dreg:$0x1] =	wrdreg $0xFFFFFFFF  }
0x1f: {  	s28 =	simm.s32 $_size_execute0_lowered;
	s3 =	sadd.s32 s3, s5;
	[dreg:$0x0] =	wrdreg $0x0  }
0x20: {  	s5 =	sshll.u32 s28, $0x1;
	[dreg:$0x2] =	wrdreg s3  }
0x21: {  	[dreg:$0x3] =	wrdreg s5  }
0x22: {  	[dreg:$0x4] =	wrdreg $0xC0  }
0x23: {  	_ =	task [dreg:s7], $0x5FFFF  }
0x24: {  	[dreg:$0x1] =	wrdreg $0xFFFFFFFF  }
0x25: {  	[dreg:$0x0] =	wrdreg $0x60  }
0x26: {  	[dreg:$0x2] =	wrdreg s25  }
0x27: {  	[dreg:$0x3] =	wrdreg s2  }
0x28: {  	[dreg:$0x4] =	wrdreg $0x9  }
0x29: {  	_ =	task.clear_ibuf [dreg:s7], $0x5FFFF;
	_ =	strace $0x9000004F  }
0x2a: {  	s29 =	simm.s32 $0x9;
	_ =	strace $0x80000051  }
0x2b: {  	_ =	swait.ge [sflag:s29], $0x1  }
0x2c: {  	[sflag:s29] =	ssyncadd.s32 $0xFFFFFFFF  }
0x2d: {  	_ =	strace $0x90000051  }
0x2e: {  	_ =	sfence  }
0x2f: {  	s30 =	sld [smem:$0x0];
	_ =	sdelay $0x2  }
0x30: {  	s31 =	sshll.u32 s1, $0xD;
	s1 =	sshrl.u32 s1, $0x2  }
0x31: {  	s3 =	sand.u32 $0x4000, s31;
	s1 =	sadd.s32 s1, s30  }
0x32: {  	s0 =	sor.u32 s3, s0;
	s1 =	sshll.u32 s1, $0x11  }
0x33: {  	s0 =	sor.u32 s1, s0  }
0x34: {  	s0 =	sadd.s32 $0x8F2B, s0  }
0x35: {  	[sflag:s0] =	ssyncadd.remote.s32 $0x1  }
0x36: {  	_ =	sfence.sel $0xFFFF  }
0x37: {  	[dreg:$0x0] =	wrdreg $0xFFFFFFFF;
	(pc) =	sbr.abs _section_cstart, $3  }
0x38: {  	[dreg:$0x1] =	wrdreg $0xFFFFFFFF  }
0x39: {  	_ =	task.clear_ibuf [dreg:s7], $0x2FFFF;
	_ =	strace $0x9FFFFFFF  }
0x3a: {  	(tm) =	ssettm $0x7FFFFFFF  }
0x3b: {  	_ =	shalt  }
tec
execute0_lowered:
.L_overlay_start_1:
0x0: {  	(tag) =	ssettag $0x1  }
0x1: {  	s7 =	rddreg [dreg:$0x0];
	s0 =	stileid.u32  }
0x2: {  	s1 =	srdreg.scid;
	s2 =	rddreg [dreg:$0x1];
	s31 =	simm.s32 $0x2  }
0x3: {  	s14 =	simm.s32 $0x0;
	s15 =	simm.s32 $0x0;
	s13 =	simm.s32 $0x0  }
0x4: {  	s3 =	sshll.u32 s0, $0x3;
	s4 =	sshll.u32 s0, $0x8;
	s1 =	sshll.u32 s1, $0xC  }
0x5: {  	s3 =	sand.u32 $0x38, s3;
	s4 =	sor.u32 s4, s1;
	s1 =	rddreg [dreg:$0x2]  }
0x6: {  	_ =	strace $0x80000050;
	s4 =	sand.u32 $0x1800, s4;
	s5 =	ssub.s32 $0x40, s3  }
0x7: {  	s6 =	sand.u32 $0x38, s5;
	s8 =	ssub.s32 $0x20000, s4;
	s10 =	sshrl.u32 s5, $0x6  }
0x8: {  	p0 =	sne.s32 s6, $0x0;
	s6 =	simm.s32 $0x1;
	s9 =	sand.u32 $0x1800, s8  }
0x9: {  	s6 =	simm.s32 @!p0 $0x0;
	p0 =	sne.s32 s9, $0x0;
	s9 =	simm.s32 $0x1  }
.Ltmp0:
0xa: {  	s8 =	sshrl.u32 s8, $0xD;
	s9 =	simm.s32 @!p0 $0x0;
	(pc) =	sbr.rel .LBB1_1-.Ltmp0, $4  }
0xb: {  	s5 =	simm.s32 $0x1;
	s6 =	sadd.s32 s6, s10;
	s8 =	sadd.s32 s9, s8  }
0xc: {  	s7 =	sadd.s32 $0x202000, s7;
	[sflag:s5] =	ssyncpa.u1 $0x0;
	s6 =	smul.u32 s6, s8  }
0xd: {  	s12 =	smov.u32 s3;
	s11 =	smov.u32 s4;
	[sflag:s31] =	ssyncpa.u1 $0x0  }
0xe: {  	s10 =	simm.s32 $0x0;
	s9 =	simm.s32 $0x20000;
	s8 =	sadd.s32 $0x1, s6  }
.LBB1_7:
0xf: {  	s16 =	sadd.s32 $0x2000, s11  }
0x10: {  	s14 =	sadd.s32 $0x40, s12;
	s18 =	smov.u32 s12;
	p1 =	sgt.s32 s16, $0x1FFFF  }
0x11: {  	s18 =	smov.u32 @p1 s14  }
0x12: {  	s16 =	smov.u32 @p1 s4;
	p1 =	sgt.s32 s18, $0x3F  }
0x13: {  	s18 =	smov.u32 @p1 s3;
	p1 =	sne.s32 s13, s8  }
.Ltmp1:
0x14: {  	p0 =	slt.u32 s13, $0x2;
	(pc) =	sbr.rel @!p1 .LBB1_8-.Ltmp1, $4  }
0x15: {  	s17 =	simm.s32 @!p0 $0x2  }
0x16: {  	s15 =	smov.u32 s12;
	s10 =	sadd.s32 $0x4000, s10;
	_ =	swait.ge @!p0 [sflag:s17], $0x4000  }
0x17: {  	s14 =	smov.u32 s11;
	[sflag:s17] =	ssyncset.done @!p0 $0x0;
	s11 =	smov.u32 s16  }
0x18: {  	s13 =	sadd.s32 $0x1, s13;
	[sflag:s17] =	ssyncadd.s32 @!p0 $0xFFFFC000;
	s12 =	smov.u32 s18  }
.LBB1_1:
0x19: {  	p0 =	sge.u32 s13, s6  }
0x1a: {  	s16 =	sand.u32 @!p0 $0x78, s11;
	s17 =	sshll.u32 @!p0 s12, $0x11;
	s18 =	sshll.u32 @!p0 s12, $0x7  }
0x1b: {  	s19 =	sshll.u32 @!p0 s11, $0x3;
	s17 =	sand.u32 @!p0 $0x700000, s17;
	s18 =	sand.u32 @!p0 $0x380, s18  }
0x1c: {  	s17 =	sadd.s32 @!p0 s17, s19;
	s19 =	sand.u32 @!p0 $0x1FC00, s19;
	s16 =	sor.u32 @!p0 s18, s16  }
0x1d: {  	s17 =	sand.u32 @!p0 $0x7E0000, s17;
	s16 =	sor.u32 @!p0 s19, s16  }
0x1e: {  	s18 =	sxor.u32 @!p0 $0xFFFFFFFF, s13;
	s16 =	sor.u32 @!p0 s17, s16  }
0x1f: {  	s31 =	sadd.s32 $0xFFFFFFFF, s13;
	s17 =	sshll.u32 @!p0 s18, $0xE;
	s16 =	sshrl.u32 @!p0 s16, $0x3  }
0x20: {  	s18 =	sand.u32 @!p0 $0x7, s11;
	s17 =	sand.u32 @!p0 $0x4000, s17;
	s16 =	sadd.s32 @!p0 s7, s16  }
0x21: {  	[tilespmem:s17], [sflag:$0x1] =	stream.linear.gather @!p0 [hbm4b:s16+s18], $0x4000, $0x38;
	[tilespmem:$0x10000] =	vst v63  }
0x22: {  	p0 =	sge.u32 s31, s6  }
.Ltmp2:
0x23: {  	_ = 	snop;
	(pc) =	sbr.rel @p0 .LBB1_7-.Ltmp2, $1  }
0x24: {  	_ =	sdelay $0x3  }
0x25: {  	s16 =	sand.u32 $0x4000, s10  }
0x26: {  	_ =	swait.ge [sflag:s5], $0x4000;
	s19 =	sshll.u32 s13, $0xE;
	s17 =	sor.u32 $0x8100, s16  }
0x27: {  	s18 =	sor.u32 $0x800, s16;
	[sflag:s5] =	ssyncset.done $0x0;
	s31 =	sand.u32 $0x4000, s19  }
0x28: {  	s19 =	simm.s32 $0x0;
	[sflag:s5] =	ssyncadd.s32 $0xFFFFC000;
	s16 =	sor.u32 $0x8000, s31  }
.LBB1_3:
0x29: {  	v0 =	vld [tilespmem:s18+$0x470]  }
0x2a: {  	v1 =	vld [tilespmem:s18+$0xFFFFF810]  }
0x2b: {  	v2 =	vld [tilespmem:s18+$0xFFFFF820]  }
0x2c: {  	v3 =	vld [tilespmem:s18+$0xFFFFF830]  }
0x2d: {  	v4 =	vld [tilespmem:s18+$0xFFFFF840]  }
0x2e: {  	v5 =	vld [tilespmem:s18+$0xFFFFF850];
	[tilespmem:s17+$0xF0] =	vst v0  }
0x2f: {  	[tilespmem:s17+$0xFFFFFF10] =	vst v1;
	v0 =	vld [tilespmem:s18+$0xFFFFF860]  }
0x30: {  	[tilespmem:s17+$0xFFFFFF20] =	vst v2;
	v1 =	vld [tilespmem:s18+$0xFFFFF870]  }
0x31: {  	[tilespmem:s17+$0xFFFFFF30] =	vst v3;
	v2 =	vld [tilespmem:s18+$0xFFFFFC00]  }
0x32: {  	[tilespmem:s17+$0xFFFFFF40] =	vst v4;
	v3 =	vld [tilespmem:s18+$0xFFFFFC10]  }
0x33: {  	[tilespmem:s17+$0xFFFFFF50] =	vst v5;
	v4 =	vld [tilespmem:s18+$0xFFFFFC20]  }
0x34: {  	v5 =	vld [tilespmem:s18+$0x420];
	[tilespmem:s17+$0xFFFFFF60] =	vst v0  }
0x35: {  	v0 =	vld [tilespmem:s18+$0xFFFFFC30];
	[tilespmem:s17+$0xFFFFFF70] =	vst v1  }
0x36: {  	v1 =	vld [tilespmem:s18+$0xFFFFFC40];
	[tilespmem:s17+$0xFFFFFF80] =	vst v2  }
0x37: {  	[tilespmem:s17+$0xFFFFFF90] =	vst v3;
	v3 =	vld [tilespmem:s18+$0xFFFFFC60]  }
0x38: {  	[tilespmem:s17+$0xFFFFFFA0] =	vst v4;
	v4 =	vld [tilespmem:s18+$0xFFFFFC70]  }
0x39: {  	v2 =	vld [tilespmem:s18+$0xFFFFFC50];
	[tilespmem:s17+$0xA0] =	vst v5  }
0x3a: {  	[tilespmem:s17+$0xFFFFFFB0] =	vst v0;
	v0 =	vld [tilespmem:s18+$0x0]  }
0x3b: {  	[tilespmem:s17+$0xFFFFFFC0] =	vst v1;
	v1 =	vld [tilespmem:s18+$0x10]  }
0x3c: {  	[tilespmem:s17+$0xFFFFFFE0] =	vst v3;
	v3 =	vld [tilespmem:s18+$0x30]  }
0x3d: {  	[tilespmem:s17+$0xFFFFFFF0] =	vst v4;
	v4 =	vld [tilespmem:s18+$0x40]  }
0x3e: {  	[tilespmem:s17+$0xFFFFFFD0] =	vst v2;
	v2 =	vld [tilespmem:s18+$0x20]  }
0x3f: {  	[tilespmem:s17+$0x0] =	vst v0;
	v0 =	vld [tilespmem:s18+$0x50]  }
0x40: {  	[tilespmem:s17+$0x10] =	vst v1;
	v1 =	vld [tilespmem:s18+$0x60]  }
0x41: {  	[tilespmem:s17+$0x30] =	vst v3;
	v3 =	vld [tilespmem:s18+$0x400]  }
0x42: {  	[tilespmem:s17+$0x40] =	vst v4;
	v4 =	vld [tilespmem:s18+$0x410]  }
0x43: {  	[tilespmem:s17+$0x20] =	vst v2;
	v2 =	vld [tilespmem:s18+$0x70]  }
0x44: {  	[tilespmem:s17+$0x50] =	vst v0;
	v0 =	vld [tilespmem:s18+$0x430]  }
0x45: {  	[tilespmem:s17+$0x60] =	vst v1;
	v1 =	vld [tilespmem:s18+$0x440]  }
0x46: {  	[tilespmem:s17+$0x80] =	vst v3;
	v3 =	vld [tilespmem:s18+$0x450]  }
0x47: {  	[tilespmem:s17+$0x90] =	vst v4;
	v4 =	vld [tilespmem:s18+$0x460]  }
0x48: {  	s21 =	simm.s32 $0x0;
	s22 =	sadd.s32 $0x1000, s18;
	s20 =	smov.u32 s17;
	[tilespmem:s17+$0x70] =	vst v2;
	v2 =	vld [tilespmem:s18+$0xFFFFF800]  }
.LBB1_4:
0x49: {  	v5 =	vld [tilespmem:s22+$0x470];
	s21 =	sadd.s32 $0x200, s21;
	[tilespmem:s20+$0xB0] =	vst v0  }
0x4a: {  	v0 =	vld [tilespmem:s22+$0xFFFFF810];
	p0 =	slt.u32 s21, $0x600;
	[tilespmem:s20+$0xC0] =	vst v1  }
0x4b: {  	v1 =	vld [tilespmem:s22+$0xFFFFF820];
	[tilespmem:s20+$0xD0] =	vst v3  }
0x4c: {  	v3 =	vld [tilespmem:s22+$0xFFFFF830];
	[tilespmem:s20+$0xE0] =	vst v4  }
0x4d: {  	v4 =	vld [tilespmem:s22+$0xFFFFF840];
	[tilespmem:s20+$0xFFFFFF00] =	vst v2;
	s20 =	sadd.s32 $0x200, s20  }
0x4e: {  	v2 =	vld [tilespmem:s22+$0xFFFFF850];
	[tilespmem:s20+$0xF0] =	vst v5  }
0x4f: {  	[tilespmem:s20+$0xFFFFFF10] =	vst v0;
	v0 =	vld [tilespmem:s22+$0xFFFFF860]  }
0x50: {  	[tilespmem:s20+$0xFFFFFF20] =	vst v1;
	v1 =	vld [tilespmem:s22+$0xFFFFF870]  }
0x51: {  	[tilespmem:s20+$0xFFFFFF30] =	vst v3;
	v3 =	vld [tilespmem:s22+$0xFFFFFC00]  }
0x52: {  	[tilespmem:s20+$0xFFFFFF40] =	vst v4;
	v4 =	vld [tilespmem:s22+$0xFFFFFC10]  }
0x53: {  	[tilespmem:s20+$0xFFFFFF50] =	vst v2;
	v2 =	vld [tilespmem:s22+$0xFFFFFC20]  }
0x54: {  	[tilespmem:s20+$0xFFFFFF60] =	vst v0;
	v0 =	vld [tilespmem:s22+$0xFFFFFC30]  }
0x55: {  	[tilespmem:s20+$0xFFFFFF70] =	vst v1;
	v1 =	vld [tilespmem:s22+$0xFFFFFC40]  }
0x56: {  	[tilespmem:s20+$0xFFFFFF80] =	vst v3;
	v3 =	vld [tilespmem:s22+$0xFFFFFC50]  }
0x57: {  	[tilespmem:s20+$0xFFFFFF90] =	vst v4;
	v4 =	vld [tilespmem:s22+$0xFFFFFC60]  }
0x58: {  	[tilespmem:s20+$0xFFFFFFA0] =	vst v2;
	v2 =	vld [tilespmem:s22+$0xFFFFFC70]  }
0x59: {  	[tilespmem:s20+$0xFFFFFFB0] =	vst v0;
	v0 =	vld [tilespmem:s22+$0x0]  }
0x5a: {  	[tilespmem:s20+$0xFFFFFFC0] =	vst v1;
	v1 =	vld [tilespmem:s22+$0x10]  }
0x5b: {  	[tilespmem:s20+$0xFFFFFFD0] =	vst v3;
	v3 =	vld [tilespmem:s22+$0x20]  }
0x5c: {  	[tilespmem:s20+$0xFFFFFFE0] =	vst v4;
	v4 =	vld [tilespmem:s22+$0x30]  }
0x5d: {  	[tilespmem:s20+$0xFFFFFFF0] =	vst v2;
	v2 =	vld [tilespmem:s22+$0x40]  }
0x5e: {  	[tilespmem:s20+$0x0] =	vst v0;
	v0 =	vld [tilespmem:s22+$0x50]  }
0x5f: {  	[tilespmem:s20+$0x10] =	vst v1;
	v1 =	vld [tilespmem:s22+$0x60]  }
0x60: {  	[tilespmem:s20+$0x20] =	vst v3;
	v3 =	vld [tilespmem:s22+$0x70]  }
0x61: {  	[tilespmem:s20+$0x30] =	vst v4;
	v4 =	vld [tilespmem:s22+$0x400]  }
0x62: {  	[tilespmem:s20+$0x40] =	vst v2;
	v2 =	vld [tilespmem:s22+$0x410]  }
0x63: {  	[tilespmem:s20+$0x50] =	vst v0;
	v5 =	vld [tilespmem:s22+$0x420]  }
.Ltmp3:
0x64: {  	[tilespmem:s20+$0x60] =	vst v1;
	v0 =	vld [tilespmem:s22+$0x430];
	(pc) =	sbr.rel @p0 .LBB1_4-.Ltmp3, $4  }
0x65: {  	[tilespmem:s20+$0x70] =	vst v3;
	v1 =	vld [tilespmem:s22+$0x440]  }
0x66: {  	[tilespmem:s20+$0x80] =	vst v4;
	v3 =	vld [tilespmem:s22+$0x450]  }
0x67: {  	[tilespmem:s20+$0x90] =	vst v2;
	v4 =	vld [tilespmem:s22+$0x460]  }
0x68: {  	v2 =	vld [tilespmem:s22+$0xFFFFF800];
	[tilespmem:s20+$0xA0] =	vst v5;
	s22 =	sadd.s32 $0x1000, s22  }
0x69: {  	s19 =	sadd.s32 $0x1, s19  }
0x6a: {  	p0 =	sne.s32 s19, $0x8  }
.Ltmp4:
0x6b: {  	[tilespmem:s20+$0xB0] =	vst v0;
	(pc) =	sbr.rel @p0 .LBB1_3-.Ltmp4, $4  }
0x6c: {  	[tilespmem:s20+$0xC0] =	vst v1  }
0x6d: {  	[tilespmem:s20+$0xD0] =	vst v3  }
0x6e: {  	[tilespmem:s20+$0xE0] =	vst v4  }
0x6f: {  	s17 =	sadd.s32 $0x800, s17;
	s18 =	sadd.s32 $0x80, s18;
	[tilespmem:s20+$0xFFFFFF00] =	vst v2  }
.Ltmp5:
0x70: {  	(pc) =	sbr.rel .LBB1_7-.Ltmp5, $4  }
0x71: {  	s15 =	sshll.u32 s15, $0xE;
	s17 =	sshrl.u32 s14, $0x3;
	s31 =	sand.u32 $0x7, s14  }
0x72: {  	s17 =	sand.u32 $0x3FFF, s17;
	s15 =	sadd.s32 s2, s15;
	s14 =	sshll.u32 s31, $0x12  }
0x73: {  	s15 =	sadd.s32 s17, s15;
	s14 =	sor.u32 $0x800, s14  }
0x74: {  	[hbm4b:s15+s14] =	stream.strided.scatter [tilespmem:s16], [sflag:$0x2], $0x4000, s9, s14, $0x38;
	[tilespmem:$0x10000] =	vst v63  }
.LBB1_8:
0x75: {  	_ =	sfence.sel $0x180000  }
0x76: {  	s2 =	simm.s32 $0x1;
	[bflag:$0x0] =	sbarrier.arrive $0xFFFF  }
0x77: {  	s31 =	simm.s32 $0x2;
	[sflag:s2] =	ssyncpa.u1 $0x1  }
0x78: {  	[sflag:s31] =	ssyncpa.u1 $0x1  }
0x79: {  	p0 =	sne.s32 s0, $0x0;
	_ =	strace $0x90000050  }
0x7a: {  	s0 =	sadd.s32 @!p0 $0x100000, s1;
	[bflag:$0x2] =	sbarrier.arrive $0xFFFF  }
0x7b: {  	[sflag:s0] =	ssyncadd.tile.s32 @!p0 $0x1;
	_ =	shalt  }
.Lfunc_end1:
_tile_overlayer_lowered:
.L_overlay_start_2:
0x7c: {  	(tag) =	ssettag $0x2  }
0x7d: {  	s0 =	rddreg [dreg:$0x0];
	s2 =	stileid.u32  }
0x7e: {  	s1 =	rddreg [dreg:$0x1];
	p0 =	sne.s32 s2, $0x0  }
0x7f: {  	s3 =	rddreg [dreg:$0x2];
	[bflag:$0x3] =	sbarrier.arrive $0xFFFF;
	s2 =	simm.s32 @!p0 $0x1C01  }
0x80: {  	[timem:s3], [sflag:s2] =	dma.local @!p0 [hbm:s0], s1  }
0x81: {  	s0 =	simm.s32 @!p0 $0x1  }
0x82: {  	_ =	swait.ge @!p0 [sflag:s0], s1  }
0x83: {  	s1 =	ssub.s32 @!p0 $0x0, s1;
	[sflag:s0] =	ssyncset.done @!p0 $0x0  }
0x84: {  	[sflag:s0] =	ssyncadd.s32 @!p0 s1  }
0x85: {  	[bflag:$0x3] =	sbarrier.arrive $0xFFFF  }
0x86: {  	_ =	shalt  }

</sc_bundles>
